<compile_context>
chip_gen: v7x
topology: tpu7x:2x2x1
jax: 0.10.2.dev20260603
libtpu: 0.0.44.dev20260713+nightly
codegen_flags: <defaults>
</compile_context>

<pallas_src>
import functools

import jax
import jax.numpy as jnp
from jax import lax
from jax.experimental import pallas as pl
from jax.experimental.pallas import tpu as pltpu
from jax.experimental.pallas import tpu_sc as plsc

NC = 2
NS = 16
NW = NC * NS
CHUNK = 128
NBUF = 8


@functools.partial(jax.jit, static_argnames=("n_pad", "c", "k_chunks"))
def _edge_scatter(y, src3, dst3, zeros, *, n_pad, c, k_chunks):
    rows_per_tile = n_pad // NS
    mesh = plsc.VectorSubcoreMesh(core_axis_name="c", subcore_axis_name="s")
    kg = k_chunks // NBUF

    @functools.partial(
        pl.kernel,
        out_type=jax.ShapeDtypeStruct((NC, n_pad, c), jnp.float32),
        mesh=mesh,
        scratch_types=[
            pltpu.VMEM((kg, NBUF * CHUNK), jnp.int32),
            pltpu.VMEM((kg, NBUF * CHUNK), jnp.int32),
            pltpu.VMEM((2, NBUF * CHUNK, c), jnp.float32),
            pltpu.VMEM_SHARED((n_pad, c), jnp.float32),
            pltpu.SemaphoreType.DMA((2,)),
            pltpu.SemaphoreType.DMA((2,)),
        ],
        compiler_params=pltpu.CompilerParams(use_tc_tiling_on_sc=False),
    )
    def k(y_hbm, src_hbm, dst_hbm, z_hbm, out_hbm, src_v, dst_v, rows_v,
          agg_sh, sem, sem_s):
        cid = lax.axis_index("c")
        sid = lax.axis_index("s")
        wid = cid * NS + sid
        pltpu.sync_copy(src_hbm.at[wid], src_v)
        pltpu.sync_copy(dst_hbm.at[wid], dst_v)
        r0 = sid * rows_per_tile
        pltpu.sync_copy(z_hbm.at[pl.ds(r0, rows_per_tile)],
                        agg_sh.at[pl.ds(r0, rows_per_tile)])
        plsc.subcore_barrier()

        def g_wait(g, par):
            pltpu.make_async_copy(y_hbm.at[src_v.at[g]], rows_v.at[par],
                                  sem.at[par]).wait()

        def s_wait(par):
            pltpu.make_async_copy(y_hbm.at[src_v.at[0]], rows_v.at[par],
                                  sem_s.at[par]).wait()

        pltpu.async_copy(y_hbm.at[src_v.at[0]], rows_v.at[0], sem.at[0])

        def group(g, carry):
            par = lax.rem(g, 2)
            npar = lax.rem(g + 1, 2)
            g_wait(g, par)

            @pl.when(g + 1 < kg)
            def _():
                @pl.when(g >= 1)
                def _():
                    s_wait(npar)
                pltpu.async_copy(y_hbm.at[src_v.at[g + 1]], rows_v.at[npar],
                                 sem.at[npar])

            pltpu.async_copy(rows_v.at[par], agg_sh.at[dst_v.at[g]],
                             sem_s.at[par], add=True)
            return carry

        lax.fori_loop(0, kg, group, 0)
        s_wait((kg - 1) % 2)
        plsc.subcore_barrier()
        pltpu.sync_copy(agg_sh.at[pl.ds(r0, rows_per_tile)],
                        out_hbm.at[cid, pl.ds(r0, rows_per_tile)])

    return k(y, src3, dst3, zeros)


def _mm_first(x8, bd_nb, bd_self, r_out):

    def body(x_ref, a_ref, b_ref, y_ref, s_ref):
        xx = x_ref[...]
        y_ref[...] = jnp.dot(xx, a_ref[...],
                             preferred_element_type=jnp.float32)
        s_ref[...] = jnp.dot(xx, b_ref[...],
                             preferred_element_type=jnp.float32)

    return pl.pallas_call(
        body,
        out_shape=(jax.ShapeDtypeStruct((r_out, 128), jnp.float32),
                   jax.ShapeDtypeStruct((r_out, 128), jnp.float32)),
    )(x8, bd_nb, bd_self)


def _fused(parts_f, s_f, gl, bl, fold, res_f, bd_nb, bd_self, n, r_real):
    r = s_f.shape[0]
    inv_n = 1.0 / n
    fuse_mm = bd_nb is not None

    def body(*refs):
        it = iter(refs)
        p_ref, s_ref, g_ref, b_ref, f_ref = (next(it) for _ in range(5))
        r_ref = next(it) if res_f is not None else None
        wa_ref = next(it) if fuse_mm else None
        wb_ref = next(it) if fuse_mm else None
        h_ref = next(it)
        pre = p_ref[0, :r] + p_ref[1, :r] + s_ref[...]
        f = f_ref[...]
        m128 = jnp.sum(pre, axis=0, keepdims=True) * inv_n
        mc = jnp.dot(m128, f, preferred_element_type=jnp.float32,
                             precision=lax.Precision.HIGHEST)
        mx = lax.dot_general(mc, f, (((1,), (1,)), ((), ())),
                             preferred_element_type=jnp.float32,
                             precision=lax.Precision.HIGHEST)
        rows = lax.broadcasted_iota(jnp.int32, (r, 1), 0)
        live = rows < r_real
        d = jnp.where(live, pre - mx, 0.0)
        v128 = jnp.sum(d * d, axis=0, keepdims=True) * inv_n
        vc = jnp.dot(v128, f, preferred_element_type=jnp.float32,
                             precision=lax.Precision.HIGHEST)
        vx = lax.dot_general(vc, f, (((1,), (1,)), ((), ())),
                             preferred_element_type=jnp.float32,
                             precision=lax.Precision.HIGHEST)
        hn = d * lax.rsqrt(vx + 1e-3) * g_ref[...] + b_ref[...]
        if r_ref is not None:
            hn = hn + r_ref[...]
        h = jnp.maximum(hn, 0.0)
        h = jnp.where(live, h, 0.0)
        h_ref[...] = h
        if fuse_mm:
            y_ref, s2_ref = next(it), next(it)
            y_ref[...] = jnp.dot(h, wa_ref[...],
                                 preferred_element_type=jnp.float32)
            s2_ref[...] = jnp.dot(h, wb_ref[...],
                                  preferred_element_type=jnp.float32)

    args = [parts_f, s_f, gl, bl, fold]
    if res_f is not None:
        args.append(res_f)
    outs = [jax.ShapeDtypeStruct((r, 128), jnp.float32)]
    if fuse_mm:
        args += [bd_nb, bd_self]
        x_cols = bd_nb.shape[1]
        outs += [jax.ShapeDtypeStruct((r, x_cols), jnp.float32),
                 jax.ShapeDtypeStruct((r, x_cols), jnp.float32)]
    return pl.pallas_call(body, out_shape=tuple(outs))(*args)


def kernel(x, edge_index, Win_nb, Win_self, g_in, b_in, S1_nb, S1_self,
           S1_g, S1_b, Wd_nb, Wd_self, g_d, b_d, S2_nb, S2_self, S2_g, S2_b):
    n = x.shape[0]
    e = edge_index.shape[1]
    n_flat = -(-n // 64) * 64
    n_sc = -(-(n_flat + 1) // 128) * 128
    k_chunks = -(-e // (NW * CHUNK * NBUF)) * NBUF
    e_pad = NW * k_chunks * CHUNK
    kg = k_chunks // NBUF

    src = edge_index[0].astype(jnp.int32)
    dst = edge_index[1].astype(jnp.int32)
    src3 = jnp.concatenate(
        [src, jnp.zeros((e_pad - e,), jnp.int32)]).reshape(
            NW, kg, NBUF * CHUNK)
    dst3 = jnp.concatenate(
        [dst, jnp.full((e_pad - e,), n_flat, jnp.int32)]).reshape(
            NW, kg, NBUF * CHUNK)

    z16 = jnp.zeros((n_sc, 16), jnp.float32)
    z32 = jnp.zeros((n_sc, 32), jnp.float32)

    def fold_mat(c):
        return (jnp.arange(128)[:, None] % c ==
                jnp.arange(c)[None, :]).astype(jnp.float32)

    f16, f32m = fold_mat(16), fold_mat(32)

    def bd(w):
        return jnp.kron(jnp.eye(128 // w.shape[0], dtype=jnp.float32), w)

    def lane(v):
        return jnp.tile(v, 128 // v.shape[0])[None, :]

    def sc_pass(y_f, c):
        y_std = y_f.reshape(n_flat, c)
        z = z16 if c == 16 else z32
        parts = _edge_scatter(y_std, src3, dst3, z,
                              n_pad=n_sc, c=c, k_chunks=k_chunks)
        return parts.reshape(NC, n_sc * c // 128, 128)

    def layer(y_f, s_f, c, g, b, res, wnb, wself):
        parts_f = sc_pass(y_f, c)
        bd_nb = bd(wnb) if wnb is not None else None
        bd_self = bd(wself) if wself is not None else None
        fold = f16 if c == 16 else f32m
        outs = _fused(parts_f, s_f, lane(g), lane(b), fold, res,
                      bd_nb, bd_self, n, n * c // 128)
        if wnb is None:
            return outs[0], None, None
        h_f, y2, s2 = outs
        c2 = wnb.shape[1]
        r2 = n_flat * c2 // 128
        return h_f, y2.reshape(r2, 128), s2.reshape(r2, 128)

    r16 = n_flat * 16 // 128
    x8 = jnp.pad(x.reshape(n // 8, 8 * x.shape[1]),
                 ((0, r16 - n // 8), (0, 0)))
    bd1n = jnp.kron(jnp.eye(8, dtype=jnp.float32), Win_nb)
    bd1s = jnp.kron(jnp.eye(8, dtype=jnp.float32), Win_self)
    y, s = _mm_first(x8, bd1n, bd1s, r16)

    h1, y, s = layer(y, s, 16, g_in, b_in, None, S1_nb[0, 0], S1_self[0, 0])
    o1, y, s = layer(y, s, 16, S1_g[0, 0], S1_b[0, 0], None,
                     S1_nb[0, 1], S1_self[0, 1])
    h2, y, s = layer(y, s, 16, S1_g[0, 1], S1_b[0, 1], h1,
                     S1_nb[1, 0], S1_self[1, 0])
    o2, y, s = layer(y, s, 16, S1_g[1, 0], S1_b[1, 0], None,
                     S1_nb[1, 1], S1_self[1, 1])
    h3, y, s = layer(y, s, 16, S1_g[1, 1], S1_b[1, 1], h2, Wd_nb, Wd_self)
    h4, y, s = layer(y, s, 32, g_d, b_d, None, S2_nb[0, 0], S2_self[0, 0])
    o3, y, s = layer(y, s, 32, S2_g[0, 0], S2_b[0, 0], None,
                     S2_nb[0, 1], S2_self[0, 1])
    h5, y, s = layer(y, s, 32, S2_g[0, 1], S2_b[0, 1], h4,
                     S2_nb[1, 0], S2_self[1, 0])
    o4, y, s = layer(y, s, 32, S2_g[1, 0], S2_b[1, 0], None,
                     S2_nb[1, 1], S2_self[1, 1])
    h6, _, _ = layer(y, s, 32, S2_g[1, 1], S2_b[1, 1], h5, None, None)
    return h6.reshape(n_flat, 32)[:n]

# --- scband reference (transcript-rebuilt; emitter-appended) ---
"""Pipeline reference for scband-voxel-res-back-bone8x-large-kernel3-d-69234872811976 (READ-ONLY COPY).

The authoritative reference and input builder live on the scoring server;
editing this copy changes nothing except your own understanding.
"""

import jax, jax.numpy as jnp
import numpy as np

N_NODES = 10000
N_EDGES = 320000
D_IN = 128


def _bn(h, g, b):
    m = jnp.mean(h, axis=0)
    v = jnp.var(h, axis=0)
    return (h - m) / jnp.sqrt(v + 1e-3) * g + b


def _mp(h, src, dst, W_nb, W_self, n):
    # sparse-conv style gather -> matmul -> scatter-add, plus center (self) tap
    msg = jnp.take(h, src, axis=0) @ W_nb
    agg = jax.ops.segment_sum(msg, dst, num_segments=n)
    return agg + h @ W_self


def setup_inputs(seed: int = 0):
    key = jax.random.key(seed)
    ks = jax.random.split(key, 12)
    d = {}
    d["x"] = jax.random.normal(ks[0], (N_NODES, D_IN), dtype=jnp.float32)
    d["edge_index"] = jax.random.randint(ks[1], (2, N_EDGES), 0, N_NODES)
    # conv_input: input_channels -> 16
    d["Win_nb"] = jax.random.normal(ks[2], (D_IN, 16), dtype=jnp.float32) * 0.05
    d["Win_self"] = jax.random.normal(ks[3], (D_IN, 16), dtype=jnp.float32) * 0.05
    d["g_in"] = jnp.ones((16,), dtype=jnp.float32)
    d["b_in"] = jnp.zeros((16,), dtype=jnp.float32)
    # conv1: 2 SparseBasicBlocks at 16 channels, 2 convs each
    d["S1_nb"] = jax.random.normal(ks[4], (2, 2, 16, 16), dtype=jnp.float32) * 0.1
    d["S1_self"] = jax.random.normal(ks[5], (2, 2, 16, 16), dtype=jnp.float32) * 0.1
    d["S1_g"] = jnp.ones((2, 2, 16), dtype=jnp.float32)
    d["S1_b"] = jnp.zeros((2, 2, 16), dtype=jnp.float32)
    # conv2 downsample conv: 16 -> 32
    d["Wd_nb"] = jax.random.normal(ks[6], (16, 32), dtype=jnp.float32) * 0.1
    d["Wd_self"] = jax.random.normal(ks[7], (16, 32), dtype=jnp.float32) * 0.1
    d["g_d"] = jnp.ones((32,), dtype=jnp.float32)
    d["b_d"] = jnp.zeros((32,), dtype=jnp.float32)
    # conv2: 2 SparseBasicBlocks at 32 channels
    d["S2_nb"] = jax.random.normal(ks[8], (2, 2, 32, 32), dtype=jnp.float32) * 0.1
    d["S2_self"] = jax.random.normal(ks[9], (2, 2, 32, 32), dtype=jnp.float32) * 0.1
    d["S2_g"] = jnp.ones((2, 2, 32), dtype=jnp.float32)
    d["S2_b"] = jnp.zeros((2, 2, 32), dtype=jnp.float32)
    return d


def reference(x, edge_index, Win_nb, Win_self, g_in, b_in, S1_nb, S1_self, S1_g, S1_b, Wd_nb, Wd_self, g_d, b_d, S2_nb, S2_self, S2_g, S2_b):
    src = edge_index[0]
    dst = edge_index[1]
    n = x.shape[0]
    # conv_input: SubMConv3d(input_channels, 16, 3) + BN + ReLU
    h = jax.nn.relu(_bn(_mp(x, src, dst, Win_nb, Win_self, n), g_in, b_in))
    # conv1: two SparseBasicBlock(16, 16)
    for i in range(2):
        out = jax.nn.relu(_bn(_mp(h, src, dst, S1_nb[i, 0], S1_self[i, 0], n), S1_g[i, 0], S1_b[i, 0]))
        out = _bn(_mp(out, src, dst, S1_nb[i, 1], S1_self[i, 1], n), S1_g[i, 1], S1_b[i, 1])
        h = jax.nn.relu(out + h)
    # conv2 head: strided SparseConv3d(16, 32) + BN + ReLU (stride emulated channel-wise)
    h = jax.nn.relu(_bn(_mp(h, src, dst, Wd_nb, Wd_self, n), g_d, b_d))
    # conv2 body: two SparseBasicBlock(32, 32)
    for i in range(2):
        out = jax.nn.relu(_bn(_mp(h, src, dst, S2_nb[i, 0], S2_self[i, 0], n), S2_g[i, 0], S2_b[i, 0]))
        out = _bn(_mp(out, src, dst, S2_nb[i, 1], S2_self[i, 1], n), S2_g[i, 1], S2_b[i, 1])
        h = jax.nn.relu(out + h)
    return h

if __name__ == "__main__":
    import jax
    _d = setup_inputs()
    print(jax.jit(kernel)(*tuple(_d.values())))

</pallas_src>

<mosaic_0001>
#map = affine_map<(d0, d1) -> (0, 0)>
#map1 = affine_map<(d0, d1) -> (0, 0, 0)>
module attributes {stable_mosaic.version = 14 : i64} {
  func.func @k(%arg0: i32, %arg1: i32, %arg2: memref<10048x16xf32, #tpu.memory_space<hbm>>, %arg3: memref<32x10x1024xi32, #tpu.memory_space<hbm>>, %arg4: memref<32x10x1024xi32, #tpu.memory_space<hbm>>, %arg5: memref<10112x16xf32, #tpu.memory_space<hbm>>, %arg6: memref<2x10112x16xf32, #tpu.memory_space<hbm>>, %arg7: memref<10x1024xi32, #tpu.memory_space<vmem>>, %arg8: memref<10x1024xi32, #tpu.memory_space<vmem>>, %arg9: memref<2x1024x16xf32, #tpu.memory_space<vmem>>, %arg10: memref<10112x16xf32, #tpu.memory_space<vmem_shared>>, %arg11: memref<2x!tpu.dma_semaphore, #tpu.memory_space<semaphore_mem>>, %arg12: memref<2x!tpu.dma_semaphore, #tpu.memory_space<semaphore_mem>>) attributes {dimension_semantics = [#tpu.dimension_semantics<core_parallel>, #tpu.dimension_semantics<subcore_parallel>], iteration_bounds = array<i64: 2, 16>, scalar_prefetch = 0 : i64, scratch_operands = 6 : i64, tpu.core_type = #tpu.core_type<sc_vector_subcore>, window_params = [{transform_indices = #map}, {transform_indices = #map1}, {transform_indices = #map1}, {transform_indices = #map}, {transform_indices = #map1}]} {
    %mul3A = arith.constant 16 : i32
    %mul3A_0 = arith.muli %arg0, %mul3A : i32
    %add3A = arith.addi %mul3A_0, %arg1 : i32
    "tpu.region"() ({
      %run_scoped3A = tpu.sem_alloc : memref<!tpu.dma_semaphore, #tpu.memory_space<semaphore_mem>>
      %dma_start3A_37 = arith.constant 0 : i32
      %dma_start3A_38 = arith.constant 0 : i32
      %dma_start3A_39 = tpu.memref_slice %arg3[%add3A, %dma_start3A_37, %dma_start3A_38] : memref<32x10x1024xi32, #tpu.memory_space<hbm>> -> memref<1x10x1024xi32, #tpu.memory_space<hbm>>
      %dma_start3A_40 = tpu.memref_squeeze %dma_start3A_39 : memref<1x10x1024xi32, #tpu.memory_space<hbm>> -> memref<10x1024xi32, #tpu.memory_space<hbm>>
      %dma_start3A_41 = arith.constant 0 : i32
      %dma_start3A_42 = arith.constant 0 : i32
      %dma_start3A_43 = tpu.memref_slice %arg3[%add3A, %dma_start3A_41, %dma_start3A_42] : memref<32x10x1024xi32, #tpu.memory_space<hbm>> -> memref<1x10x1024xi32, #tpu.memory_space<hbm>>
      %dma_start3A_44 = tpu.memref_squeeze %dma_start3A_43 : memref<1x10x1024xi32, #tpu.memory_space<hbm>> -> memref<10x1024xi32, #tpu.memory_space<hbm>>
      tpu.enqueue_dma source(%dma_start3A_44 : memref<10x1024xi32, #tpu.memory_space<hbm>>) target(%arg7 : memref<10x1024xi32, #tpu.memory_space<vmem>>) target_semaphore(%run_scoped3A : memref<!tpu.dma_semaphore, #tpu.memory_space<semaphore_mem>>)
      %dma_wait3A_45 = arith.constant 0 : i32
      %dma_wait3A_46 = arith.constant 0 : i32
      %dma_wait3A_47 = tpu.memref_slice %arg3[%add3A, %dma_wait3A_45, %dma_wait3A_46] : memref<32x10x1024xi32, #tpu.memory_space<hbm>> -> memref<1x10x1024xi32, #tpu.memory_space<hbm>>
      %dma_wait3A_48 = tpu.memref_squeeze %dma_wait3A_47 : memref<1x10x1024xi32, #tpu.memory_space<hbm>> -> memref<10x1024xi32, #tpu.memory_space<hbm>>
      %dma_wait3A_49 = arith.constant 0 : i32
      %dma_wait3A_50 = arith.constant 0 : i32
      %dma_wait3A_51 = tpu.memref_slice %arg3[%add3A, %dma_wait3A_49, %dma_wait3A_50] : memref<32x10x1024xi32, #tpu.memory_space<hbm>> -> memref<1x10x1024xi32, #tpu.memory_space<hbm>>
      %dma_wait3A_52 = tpu.memref_squeeze %dma_wait3A_51 : memref<1x10x1024xi32, #tpu.memory_space<hbm>> -> memref<10x1024xi32, #tpu.memory_space<hbm>>
      tpu.wait_dma2 semaphore(%run_scoped3A : memref<!tpu.dma_semaphore, #tpu.memory_space<semaphore_mem>>) src(%dma_wait3A_52 : memref<10x1024xi32, #tpu.memory_space<hbm>>) dst(%arg7 : memref<10x1024xi32, #tpu.memory_space<vmem>>)
      tpu.yield
    }) : () -> ()
    "tpu.region"() ({
      %run_scoped3A = tpu.sem_alloc : memref<!tpu.dma_semaphore, #tpu.memory_space<semaphore_mem>>
      %dma_start3A_37 = arith.constant 0 : i32
      %dma_start3A_38 = arith.constant 0 : i32
      %dma_start3A_39 = tpu.memref_slice %arg4[%add3A, %dma_start3A_37, %dma_start3A_38] : memref<32x10x1024xi32, #tpu.memory_space<hbm>> -> memref<1x10x1024xi32, #tpu.memory_space<hbm>>
      %dma_start3A_40 = tpu.memref_squeeze %dma_start3A_39 : memref<1x10x1024xi32, #tpu.memory_space<hbm>> -> memref<10x1024xi32, #tpu.memory_space<hbm>>
      %dma_start3A_41 = arith.constant 0 : i32
      %dma_start3A_42 = arith.constant 0 : i32
      %dma_start3A_43 = tpu.memref_slice %arg4[%add3A, %dma_start3A_41, %dma_start3A_42] : memref<32x10x1024xi32, #tpu.memory_space<hbm>> -> memref<1x10x1024xi32, #tpu.memory_space<hbm>>
      %dma_start3A_44 = tpu.memref_squeeze %dma_start3A_43 : memref<1x10x1024xi32, #tpu.memory_space<hbm>> -> memref<10x1024xi32, #tpu.memory_space<hbm>>
      tpu.enqueue_dma source(%dma_start3A_44 : memref<10x1024xi32, #tpu.memory_space<hbm>>) target(%arg8 : memref<10x1024xi32, #tpu.memory_space<vmem>>) target_semaphore(%run_scoped3A : memref<!tpu.dma_semaphore, #tpu.memory_space<semaphore_mem>>)
      %dma_wait3A_45 = arith.constant 0 : i32
      %dma_wait3A_46 = arith.constant 0 : i32
      %dma_wait3A_47 = tpu.memref_slice %arg4[%add3A, %dma_wait3A_45, %dma_wait3A_46] : memref<32x10x1024xi32, #tpu.memory_space<hbm>> -> memref<1x10x1024xi32, #tpu.memory_space<hbm>>
      %dma_wait3A_48 = tpu.memref_squeeze %dma_wait3A_47 : memref<1x10x1024xi32, #tpu.memory_space<hbm>> -> memref<10x1024xi32, #tpu.memory_space<hbm>>
      %dma_wait3A_49 = arith.constant 0 : i32
      %dma_wait3A_50 = arith.constant 0 : i32
      %dma_wait3A_51 = tpu.memref_slice %arg4[%add3A, %dma_wait3A_49, %dma_wait3A_50] : memref<32x10x1024xi32, #tpu.memory_space<hbm>> -> memref<1x10x1024xi32, #tpu.memory_space<hbm>>
      %dma_wait3A_52 = tpu.memref_squeeze %dma_wait3A_51 : memref<1x10x1024xi32, #tpu.memory_space<hbm>> -> memref<10x1024xi32, #tpu.memory_space<hbm>>
      tpu.wait_dma2 semaphore(%run_scoped3A : memref<!tpu.dma_semaphore, #tpu.memory_space<semaphore_mem>>) src(%dma_wait3A_52 : memref<10x1024xi32, #tpu.memory_space<hbm>>) dst(%arg8 : memref<10x1024xi32, #tpu.memory_space<vmem>>)
      tpu.yield
    }) : () -> ()
    %mul3A_1 = arith.constant 632 : i32
    %mul3A_2 = arith.muli %arg1, %mul3A_1 : i32
    "tpu.region"() ({
      %run_scoped3A = tpu.sem_alloc : memref<!tpu.dma_semaphore, #tpu.memory_space<semaphore_mem>>
      %dma_start3A_37 = arith.constant 0 : i32
      %dma_start3A_38 = tpu.memref_slice %arg10[%mul3A_2, %dma_start3A_37] : memref<10112x16xf32, #tpu.memory_space<vmem_shared>> -> memref<632x16xf32, #tpu.memory_space<vmem_shared>>
      %dma_start3A_39 = arith.constant 0 : i32
      %dma_start3A_40 = tpu.memref_slice %arg5[%mul3A_2, %dma_start3A_39] : memref<10112x16xf32, #tpu.memory_space<hbm>> -> memref<632x16xf32, #tpu.memory_space<hbm>>
      tpu.enqueue_dma source(%dma_start3A_40 : memref<632x16xf32, #tpu.memory_space<hbm>>) target(%dma_start3A_38 : memref<632x16xf32, #tpu.memory_space<vmem_shared>>) target_semaphore(%run_scoped3A : memref<!tpu.dma_semaphore, #tpu.memory_space<semaphore_mem>>)
      %dma_wait3A_41 = arith.constant 0 : i32
      %dma_wait3A_42 = tpu.memref_slice %arg10[%mul3A_2, %dma_wait3A_41] : memref<10112x16xf32, #tpu.memory_space<vmem_shared>> -> memref<632x16xf32, #tpu.memory_space<vmem_shared>>
      %dma_wait3A_43 = arith.constant 0 : i32
      %dma_wait3A_44 = tpu.memref_slice %arg5[%mul3A_2, %dma_wait3A_43] : memref<10112x16xf32, #tpu.memory_space<hbm>> -> memref<632x16xf32, #tpu.memory_space<hbm>>
      tpu.wait_dma2 semaphore(%run_scoped3A : memref<!tpu.dma_semaphore, #tpu.memory_space<semaphore_mem>>) src(%dma_wait3A_44 : memref<632x16xf32, #tpu.memory_space<hbm>>) dst(%dma_wait3A_42 : memref<632x16xf32, #tpu.memory_space<vmem_shared>>)
      tpu.yield
    }) : () -> ()
    %barrier3A = arith.constant 0 : index
    tpu.barrier barrier_id(%barrier3A)
    %dma_start3A = arith.constant 0 : i32
    %dma_start3A_3 = arith.constant 0 : i32
    %dma_start3A_4 = arith.constant 0 : i32
    %dma_start3A_5 = arith.constant 0 : i32
    %dma_start3A_6 = arith.constant 0 : i32
    %dma_start3A_7 = tpu.memref_slice %arg9[%dma_start3A_3, %dma_start3A_5, %dma_start3A_6] : memref<2x1024x16xf32, #tpu.memory_space<vmem>> -> memref<1x1024x16xf32, #tpu.memory_space<vmem>>
    %dma_start3A_8 = tpu.memref_squeeze %dma_start3A_7 : memref<1x1024x16xf32, #tpu.memory_space<vmem>> -> memref<1024x16xf32, #tpu.memory_space<vmem>>
    %dma_start3A_9 = arith.constant 0 : i32
    %dma_start3A_10 = tpu.memref_slice %arg7[%dma_start3A, %dma_start3A_9] : memref<10x1024xi32, #tpu.memory_space<vmem>> -> memref<1x1024xi32, #tpu.memory_space<vmem>>
    %dma_start3A_11 = tpu.memref_squeeze %dma_start3A_10 : memref<1x1024xi32, #tpu.memory_space<vmem>> -> memref<1024xi32, #tpu.memory_space<vmem>>
    %dma_start3A_12 = arith.constant 0 : i32
    %dma_start3A_13 = arith.constant 0 : i32
    %dma_start3A_14 = tpu.memref_slice %arg2[%dma_start3A_12, %dma_start3A_13] : memref<10048x16xf32, #tpu.memory_space<hbm>> -> memref<10048x16xf32, #tpu.memory_space<hbm>>
    %dma_start3A_15 = tpu.memref_slice %arg11[%dma_start3A_4] : memref<2x!tpu.dma_semaphore, #tpu.memory_space<semaphore_mem>> -> memref<1x!tpu.dma_semaphore, #tpu.memory_space<semaphore_mem>>
    %dma_start3A_16 = tpu.memref_squeeze %dma_start3A_15 : memref<1x!tpu.dma_semaphore, #tpu.memory_space<semaphore_mem>> -> memref<!tpu.dma_semaphore, #tpu.memory_space<semaphore_mem>>
    tpu.enqueue_indirect_dma source(%dma_start3A_14 : memref<10048x16xf32, #tpu.memory_space<hbm>>) target(%dma_start3A_8 : memref<1024x16xf32, #tpu.memory_space<vmem>>) offsets(%dma_start3A_11 : memref<1024xi32, #tpu.memory_space<vmem>>) semaphore(%dma_start3A_16 : memref<!tpu.dma_semaphore, #tpu.memory_space<semaphore_mem>>)
    %scan3A = arith.constant 0 : i32
    %scan3A_17 = arith.constant 0 : i32
    %scan3A_18 = arith.constant 10 : i32
    %scan3A_19 = arith.addi %scan3A_17, %scan3A_18 : i32
    %scan3A_20 = arith.constant 1 : i32
    scf.for %scan3A_37 = %scan3A_17 to %scan3A_19 step %scan3A_20  : i32 {
      %rem3A = arith.constant 2 : i32
      %rem3A_38 = arith.remsi %scan3A_37, %rem3A : i32
      %add3A_39 = arith.constant 1 : i32
      %add3A_40 = arith.addi %scan3A_37, %add3A_39 : i32
      %rem3A_41 = arith.constant 2 : i32
      %rem3A_42 = arith.remsi %add3A_40, %rem3A_41 : i32
      %dma_wait3A_43 = arith.constant 0 : i32
      %dma_wait3A_44 = arith.constant 0 : i32
      %dma_wait3A_45 = tpu.memref_slice %arg9[%rem3A_38, %dma_wait3A_43, %dma_wait3A_44] : memref<2x1024x16xf32, #tpu.memory_space<vmem>> -> memref<1x1024x16xf32, #tpu.memory_space<vmem>>
      %dma_wait3A_46 = tpu.memref_squeeze %dma_wait3A_45 : memref<1x1024x16xf32, #tpu.memory_space<vmem>> -> memref<1024x16xf32, #tpu.memory_space<vmem>>
      %dma_wait3A_47 = arith.constant 0 : i32
      %dma_wait3A_48 = tpu.memref_slice %arg7[%scan3A_37, %dma_wait3A_47] : memref<10x1024xi32, #tpu.memory_space<vmem>> -> memref<1x1024xi32, #tpu.memory_space<vmem>>
      %dma_wait3A_49 = tpu.memref_squeeze %dma_wait3A_48 : memref<1x1024xi32, #tpu.memory_space<vmem>> -> memref<1024xi32, #tpu.memory_space<vmem>>
      %dma_wait3A_50 = arith.constant 0 : i32
      %dma_wait3A_51 = arith.constant 0 : i32
      %dma_wait3A_52 = tpu.memref_slice %arg2[%dma_wait3A_50, %dma_wait3A_51] : memref<10048x16xf32, #tpu.memory_space<hbm>> -> memref<10048x16xf32, #tpu.memory_space<hbm>>
      %dma_wait3A_53 = tpu.memref_slice %arg11[%rem3A_38] : memref<2x!tpu.dma_semaphore, #tpu.memory_space<semaphore_mem>> -> memref<1x!tpu.dma_semaphore, #tpu.memory_space<semaphore_mem>>
      %dma_wait3A_54 = tpu.memref_squeeze %dma_wait3A_53 : memref<1x!tpu.dma_semaphore, #tpu.memory_space<semaphore_mem>> -> memref<!tpu.dma_semaphore, #tpu.memory_space<semaphore_mem>>
      tpu.wait_indirect_dma semaphore(%dma_wait3A_54 : memref<!tpu.dma_semaphore, #tpu.memory_space<semaphore_mem>>) src(%dma_wait3A_52 : memref<10048x16xf32, #tpu.memory_space<hbm>>) dst(%dma_wait3A_46 : memref<1024x16xf32, #tpu.memory_space<vmem>>)
      %add3A_55 = arith.constant 1 : i32
      %add3A_56 = arith.addi %scan3A_37, %add3A_55 : i32
      %lt3A = arith.constant 10 : i32
      %lt3A_57 = arith.cmpi slt, %add3A_56, %lt3A : i32
      %convert_element_type3A = arith.extui %lt3A_57 : i1 to i32
      %cond3A = arith.constant 0 : i32
      %cond3A_58 = arith.cmpi ne, %convert_element_type3A, %cond3A : i32
      scf.if %cond3A_58 {
        %ge3A = arith.constant 1 : i32
        %ge3A_71 = arith.cmpi sge, %scan3A_37, %ge3A : i32
        %convert_element_type3A_72 = arith.extui %ge3A_71 : i1 to i32
        %cond3A_73 = arith.constant 0 : i32
        %cond3A_74 = arith.cmpi ne, %convert_element_type3A_72, %cond3A_73 : i32
        scf.if %cond3A_74 {
          %dma_wait3A_89 = arith.constant 0 : i32
          %dma_wait3A_90 = arith.constant 0 : i32
          %dma_wait3A_91 = arith.constant 0 : i32
          %dma_wait3A_92 = tpu.memref_slice %arg9[%rem3A_42, %dma_wait3A_90, %dma_wait3A_91] : memref<2x1024x16xf32, #tpu.memory_space<vmem>> -> memref<1x1024x16xf32, #tpu.memory_space<vmem>>
          %dma_wait3A_93 = tpu.memref_squeeze %dma_wait3A_92 : memref<1x1024x16xf32, #tpu.memory_space<vmem>> -> memref<1024x16xf32, #tpu.memory_space<vmem>>
          %dma_wait3A_94 = arith.constant 0 : i32
          %dma_wait3A_95 = tpu.memref_slice %arg7[%dma_wait3A_89, %dma_wait3A_94] : memref<10x1024xi32, #tpu.memory_space<vmem>> -> memref<1x1024xi32, #tpu.memory_space<vmem>>
          %dma_wait3A_96 = tpu.memref_squeeze %dma_wait3A_95 : memref<1x1024xi32, #tpu.memory_space<vmem>> -> memref<1024xi32, #tpu.memory_space<vmem>>
          %dma_wait3A_97 = arith.constant 0 : i32
          %dma_wait3A_98 = arith.constant 0 : i32
          %dma_wait3A_99 = tpu.memref_slice %arg2[%dma_wait3A_97, %dma_wait3A_98] : memref<10048x16xf32, #tpu.memory_space<hbm>> -> memref<10048x16xf32, #tpu.memory_space<hbm>>
          %dma_wait3A_100 = tpu.memref_slice %arg12[%rem3A_42] : memref<2x!tpu.dma_semaphore, #tpu.memory_space<semaphore_mem>> -> memref<1x!tpu.dma_semaphore, #tpu.memory_space<semaphore_mem>>
          %dma_wait3A_101 = tpu.memref_squeeze %dma_wait3A_100 : memref<1x!tpu.dma_semaphore, #tpu.memory_space<semaphore_mem>> -> memref<!tpu.dma_semaphore, #tpu.memory_space<semaphore_mem>>
          tpu.wait_indirect_dma semaphore(%dma_wait3A_101 : memref<!tpu.dma_semaphore, #tpu.memory_space<semaphore_mem>>) src(%dma_wait3A_99 : memref<10048x16xf32, #tpu.memory_space<hbm>>) dst(%dma_wait3A_93 : memref<1024x16xf32, #tpu.memory_space<vmem>>)
        } else {
        }
        %add3A_75 = arith.constant 1 : i32
        %add3A_76 = arith.addi %scan3A_37, %add3A_75 : i32
        %dma_start3A_77 = arith.constant 0 : i32
        %dma_start3A_78 = arith.constant 0 : i32
        %dma_start3A_79 = tpu.memref_slice %arg9[%rem3A_42, %dma_start3A_77, %dma_start3A_78] : memref<2x1024x16xf32, #tpu.memory_space<vmem>> -> memref<1x1024x16xf32, #tpu.memory_space<vmem>>
        %dma_start3A_80 = tpu.memref_squeeze %dma_start3A_79 : memref<1x1024x16xf32, #tpu.memory_space<vmem>> -> memref<1024x16xf32, #tpu.memory_space<vmem>>
        %dma_start3A_81 = arith.constant 0 : i32
        %dma_start3A_82 = tpu.memref_slice %arg7[%add3A_76, %dma_start3A_81] : memref<10x1024xi32, #tpu.memory_space<vmem>> -> memref<1x1024xi32, #tpu.memory_space<vmem>>
        %dma_start3A_83 = tpu.memref_squeeze %dma_start3A_82 : memref<1x1024xi32, #tpu.memory_space<vmem>> -> memref<1024xi32, #tpu.memory_space<vmem>>
        %dma_start3A_84 = arith.constant 0 : i32
        %dma_start3A_85 = arith.constant 0 : i32
        %dma_start3A_86 = tpu.memref_slice %arg2[%dma_start3A_84, %dma_start3A_85] : memref<10048x16xf32, #tpu.memory_space<hbm>> -> memref<10048x16xf32, #tpu.memory_space<hbm>>
        %dma_start3A_87 = tpu.memref_slice %arg11[%rem3A_42] : memref<2x!tpu.dma_semaphore, #tpu.memory_space<semaphore_mem>> -> memref<1x!tpu.dma_semaphore, #tpu.memory_space<semaphore_mem>>
        %dma_start3A_88 = tpu.memref_squeeze %dma_start3A_87 : memref<1x!tpu.dma_semaphore, #tpu.memory_space<semaphore_mem>> -> memref<!tpu.dma_semaphore, #tpu.memory_space<semaphore_mem>>
        tpu.enqueue_indirect_dma source(%dma_start3A_86 : memref<10048x16xf32, #tpu.memory_space<hbm>>) target(%dma_start3A_80 : memref<1024x16xf32, #tpu.memory_space<vmem>>) offsets(%dma_start3A_83 : memref<1024xi32, #tpu.memory_space<vmem>>) semaphore(%dma_start3A_88 : memref<!tpu.dma_semaphore, #tpu.memory_space<semaphore_mem>>)
      } else {
      }
      %dma_start3A_59 = arith.constant 0 : i32
      %dma_start3A_60 = arith.constant 0 : i32
      %dma_start3A_61 = tpu.memref_slice %arg9[%rem3A_38, %dma_start3A_59, %dma_start3A_60] : memref<2x1024x16xf32, #tpu.memory_space<vmem>> -> memref<1x1024x16xf32, #tpu.memory_space<vmem>>
      %dma_start3A_62 = tpu.memref_squeeze %dma_start3A_61 : memref<1x1024x16xf32, #tpu.memory_space<vmem>> -> memref<1024x16xf32, #tpu.memory_space<vmem>>
      %dma_start3A_63 = arith.constant 0 : i32
      %dma_start3A_64 = tpu.memref_slice %arg8[%scan3A_37, %dma_start3A_63] : memref<10x1024xi32, #tpu.memory_space<vmem>> -> memref<1x1024xi32, #tpu.memory_space<vmem>>
      %dma_start3A_65 = tpu.memref_squeeze %dma_start3A_64 : memref<1x1024xi32, #tpu.memory_space<vmem>> -> memref<1024xi32, #tpu.memory_space<vmem>>
      %dma_start3A_66 = arith.constant 0 : i32
      %dma_start3A_67 = arith.constant 0 : i32
      %dma_start3A_68 = tpu.memref_slice %arg10[%dma_start3A_66, %dma_start3A_67] : memref<10112x16xf32, #tpu.memory_space<vmem_shared>> -> memref<10112x16xf32, #tpu.memory_space<vmem_shared>>
      %dma_start3A_69 = tpu.memref_slice %arg12[%rem3A_38] : memref<2x!tpu.dma_semaphore, #tpu.memory_space<semaphore_mem>> -> memref<1x!tpu.dma_semaphore, #tpu.memory_space<semaphore_mem>>
      %dma_start3A_70 = tpu.memref_squeeze %dma_start3A_69 : memref<1x!tpu.dma_semaphore, #tpu.memory_space<semaphore_mem>> -> memref<!tpu.dma_semaphore, #tpu.memory_space<semaphore_mem>>
      tpu.enqueue_indirect_dma source(%dma_start3A_62 : memref<1024x16xf32, #tpu.memory_space<vmem>>) target(%dma_start3A_68 : memref<10112x16xf32, #tpu.memory_space<vmem_shared>>) offsets(%dma_start3A_65 : memref<1024xi32, #tpu.memory_space<vmem>>) semaphore(%dma_start3A_70 : memref<!tpu.dma_semaphore, #tpu.memory_space<semaphore_mem>>) {add = true}
    }
    %scan3A_21 = arith.constant 10 : i32
    %dma_wait3A = arith.constant 0 : i32
    %dma_wait3A_22 = arith.constant 1 : i32
    %dma_wait3A_23 = arith.constant 1 : i32
    %dma_wait3A_24 = arith.constant 0 : i32
    %dma_wait3A_25 = arith.constant 0 : i32
    %dma_wait3A_26 = tpu.memref_slice %arg9[%dma_wait3A_22, %dma_wait3A_24, %dma_wait3A_25] : memref<2x1024x16xf32, #tpu.memory_space<vmem>> -> memref<1x1024x16xf32, #tpu.memory_space<vmem>>
    %dma_wait3A_27 = tpu.memref_squeeze %dma_wait3A_26 : memref<1x1024x16xf32, #tpu.memory_space<vmem>> -> memref<1024x16xf32, #tpu.memory_space<vmem>>
    %dma_wait3A_28 = arith.constant 0 : i32
    %dma_wait3A_29 = tpu.memref_slice %arg7[%dma_wait3A, %dma_wait3A_28] : memref<10x1024xi32, #tpu.memory_space<vmem>> -> memref<1x1024xi32, #tpu.memory_space<vmem>>
    %dma_wait3A_30 = tpu.memref_squeeze %dma_wait3A_29 : memref<1x1024xi32, #tpu.memory_space<vmem>> -> memref<1024xi32, #tpu.memory_space<vmem>>
    %dma_wait3A_31 = arith.constant 0 : i32
    %dma_wait3A_32 = arith.constant 0 : i32
    %dma_wait3A_33 = tpu.memref_slice %arg2[%dma_wait3A_31, %dma_wait3A_32] : memref<10048x16xf32, #tpu.memory_space<hbm>> -> memref<10048x16xf32, #tpu.memory_space<hbm>>
    %dma_wait3A_34 = tpu.memref_slice %arg12[%dma_wait3A_23] : memref<2x!tpu.dma_semaphore, #tpu.memory_space<semaphore_mem>> -> memref<1x!tpu.dma_semaphore, #tpu.memory_space<semaphore_mem>>
    %dma_wait3A_35 = tpu.memref_squeeze %dma_wait3A_34 : memref<1x!tpu.dma_semaphore, #tpu.memory_space<semaphore_mem>> -> memref<!tpu.dma_semaphore, #tpu.memory_space<semaphore_mem>>
    tpu.wait_indirect_dma semaphore(%dma_wait3A_35 : memref<!tpu.dma_semaphore, #tpu.memory_space<semaphore_mem>>) src(%dma_wait3A_33 : memref<10048x16xf32, #tpu.memory_space<hbm>>) dst(%dma_wait3A_27 : memref<1024x16xf32, #tpu.memory_space<vmem>>)
    %barrier3A_36 = arith.constant 0 : index
    tpu.barrier barrier_id(%barrier3A_36)
    "tpu.region"() ({
      %run_scoped3A = tpu.sem_alloc : memref<!tpu.dma_semaphore, #tpu.memory_space<semaphore_mem>>
      %dma_start3A_37 = arith.constant 0 : i32
      %dma_start3A_38 = tpu.memref_slice %arg6[%arg0, %mul3A_2, %dma_start3A_37] : memref<2x10112x16xf32, #tpu.memory_space<hbm>> -> memref<1x632x16xf32, #tpu.memory_space<hbm>>
      %dma_start3A_39 = tpu.memref_squeeze %dma_start3A_38 : memref<1x632x16xf32, #tpu.memory_space<hbm>> -> memref<632x16xf32, #tpu.memory_space<hbm>>
      %dma_start3A_40 = arith.constant 0 : i32
      %dma_start3A_41 = tpu.memref_slice %arg10[%mul3A_2, %dma_start3A_40] : memref<10112x16xf32, #tpu.memory_space<vmem_shared>> -> memref<632x16xf32, #tpu.memory_space<vmem_shared>>
      tpu.enqueue_dma source(%dma_start3A_41 : memref<632x16xf32, #tpu.memory_space<vmem_shared>>) target(%dma_start3A_39 : memref<632x16xf32, #tpu.memory_space<hbm>>) target_semaphore(%run_scoped3A : memref<!tpu.dma_semaphore, #tpu.memory_space<semaphore_mem>>)
      %dma_wait3A_42 = arith.constant 0 : i32
      %dma_wait3A_43 = tpu.memref_slice %arg6[%arg0, %mul3A_2, %dma_wait3A_42] : memref<2x10112x16xf32, #tpu.memory_space<hbm>> -> memref<1x632x16xf32, #tpu.memory_space<hbm>>
      %dma_wait3A_44 = tpu.memref_squeeze %dma_wait3A_43 : memref<1x632x16xf32, #tpu.memory_space<hbm>> -> memref<632x16xf32, #tpu.memory_space<hbm>>
      %dma_wait3A_45 = arith.constant 0 : i32
      %dma_wait3A_46 = tpu.memref_slice %arg10[%mul3A_2, %dma_wait3A_45] : memref<10112x16xf32, #tpu.memory_space<vmem_shared>> -> memref<632x16xf32, #tpu.memory_space<vmem_shared>>
      tpu.wait_dma2 semaphore(%run_scoped3A : memref<!tpu.dma_semaphore, #tpu.memory_space<semaphore_mem>>) src(%dma_wait3A_46 : memref<632x16xf32, #tpu.memory_space<vmem_shared>>) dst(%dma_wait3A_44 : memref<632x16xf32, #tpu.memory_space<hbm>>)
      tpu.yield
    }) : () -> ()
    return
  }
}

</mosaic_0001>

<sc_bundles>
// kernel: _edge_scatter.3.cloned.1.call-start
scs
__scs_entry_jumppad:
0x0: {  	(pc) =	sbr.rel $0x88, $3  }
0x1: {  	(tag) =	ssettag $0x0;
	lr =	simm.s32 $0x1  }
0x2: {  	[smem:$0x3F9D] =	sst lr;
	_ =	strace $0xD0000000  }
0x3: {  	_ = 	snop  }
0x4: {  	_ = 	snop  }
0x5: {  	_ = 	snop  }
0x6: {  	_ = 	snop  }
0x7: {  	_ = 	snop  }
__scs_overlays_trampoline_lowered:
0x8: {  	[smem:$0x3FAC] =	sst s0  }
0x9: {  	[smem:$0x3FAD] =	sst s1  }
0xa: {  	[smem:$0x3FAE] =	sst s2  }
0xb: {  	[smem:$0x3FAF] =	sst s3  }
0xc: {  	[smem:$0x3FB0] =	sst s4  }
0xd: {  	[smem:$0x3FB1] =	sst s5  }
0xe: {  	[smem:$0x3FB2] =	sst s6  }
0xf: {  	[smem:$0x3FB3] =	sst s7  }
0x10: {  	[smem:$0x3FB4] =	sst s8  }
0x11: {  	[smem:$0x3FB5] =	sst s9;
	s0 =	simm.s32 @!p0 $0x0  }
0x12: {  	s1 =	sld [smem:$0x3F9B];
	s0 =	simm.s32 @p0 $0x1  }
0x13: {  	[smem:$0x3FB6] =	sst s0;
	s0 =	simm.s32 @!p1 $0x0  }
0x14: {  	s2 =	sld [smem:$0x3F9A];
	s0 =	simm.s32 @p1 $0x1  }
0x15: {  	[smem:$0x3FB7] =	sst s0;
	s0 =	simm.s32 @!p2 $0x0  }
0x16: {  	s3 =	sld [smem:$0x3FDB];
	s0 =	simm.s32 @p2 $0x1  }
0x17: {  	s4 =	simm.s32 $0x1BF5;
	[smem:$0x3FB9] =	sst s0  }
0x18: {  	s0 =	sld [smem:$0x3F9C];
	_ =	swait.ge [sflag:s4], $0x0  }
0x19: {  	s7 =	sld [smem:$0x3F9D]  }
0x1a: {  	s8 =	sadd.s32 $0xFFFFE003, lr  }
0x1b: {  	s9 =	sadd.s32 $0xFFFFFEF7, lr;
	s5 =	simm.s32 $0xFFFFFFFF;
	p2 =	slt.u32 s8, $0xFFFFF086  }
0x1c: {  	p1 =	slt.u32 s9, $0xF7A;
	s5 =	simm.s32 @!p2 $0x0  }
0x1d: {  	s5 =	simm.s32 @p1 $0x1;
	p0 =	seq.s32 s7, s2  }
0x1e: {  	s7 =	smul.u32 @!p0 $0xF7A, s2;
	p2 =	seq.s32 @!p0 s5, $0x0  }
0x1f: {  	s9 =	smul.u32 $0xF7A, s1;
	s8 =	simm.s32 @!p0 $0x1BF5;
	p2 =	por !p2, p0  }
0x20: {  	[sflag:s8] =	ssyncset.s32 @!p0 $0xFFFFF086;
	s6 =	sadd.s32 @!p0 s3, s7;
	s7 =	simm.s32 @!p0 $0x108  }
0x21: {  	s3 =	sadd.s32 s3, s9;
	s6 =	sadd.s32 @!p0 $0x88, s6;
	s7 =	simm.s32 @p2 $0x1082  }
0x22: {  	[simem:s7], [sflag:s8] =	dma.local @!p0 [hbm:s6], $0xF7A  }
0x23: {  	s9 =	sor.u32 $0xD0000000, s2;
	s6 =	simm.s32 $0x108;
	_ =	swait.ge @!p0 [sflag:s8], $0x0  }
0x24: {  	s3 =	sadd.s32 $0x88, s3;
	s6 =	simm.s32 @!p1 $0x1082;
	[sflag:s4] =	ssyncset.s32 $0xFFFFF086  }
0x25: {  	[simem:s6], [sflag:s4] =	dma.local [hbm:s3], $0xF7A  }
0x26: {  	[smem:$0x3F9D] =	sst s1;
	(tag) =	ssettag s2;
	_ =	strace s9  }
0x27: {  	s1 =	sld [smem:$0x3FAD]  }
0x28: {  	s2 =	sld [smem:$0x3FAE]  }
0x29: {  	s4 =	sld [smem:$0x3FB0]  }
0x2a: {  	p0 =	seq.s32 s5, $0x0;
	s5 =	sld [smem:$0x3FB1]  }
0x2b: {  	s6 =	sld [smem:$0x3FB2]  }
0x2c: {  	s7 =	sld [smem:$0x3FB3]  }
0x2d: {  	s3 =	simm.s32 $0x108;
	s8 =	sld [smem:$0x3FB4]  }
0x2e: {  	s3 =	simm.s32 @!p0 $0x1082;
	s9 =	sld [smem:$0x3FB5]  }
0x2f: {  	lr =	sadd.s32 s0, s3;
	s0 =	sld [smem:$0x3FAC]  }
0x30: {  	s3 =	sld [smem:$0x3FAF]  }
0x31: {  	[smem:$0x3FB8] =	sst s10  }
0x32: {  	s10 =	sld [smem:$0x3FB6];
	_ =	sdelay $0x3  }
0x33: {  	p0 =	seq.s32 s10, $0x1;
	s10 =	sld [smem:$0x3FB8];
	_ =	sdelay $0x3  }
0x34: {  	[smem:$0x3FB8] =	sst s10  }
0x35: {  	s10 =	sld [smem:$0x3FB7];
	_ =	sdelay $0x3  }
0x36: {  	p1 =	seq.s32 s10, $0x1;
	s10 =	sld [smem:$0x3FB8];
	_ =	sdelay $0x3  }
0x37: {  	[smem:$0x3FB8] =	sst s10  }
0x38: {  	s10 =	sld [smem:$0x3FB9]  }
0x39: {  	_ = 	snop;
	(pc) =	sbr.ind lr, $3  }
0x3a: {  	_ = 	snop  }
0x3b: {  	_ = 	snop  }
0x3c: {  	p2 =	seq.s32 s10, $0x1;
	s10 =	sld [smem:$0x3FB8]  }
0x3d: {  	_ =	shalt  }
0x3e: {  	_ =	shalt  }
0x3f: {  	_ =	shalt  }
0x40: {  	_ =	shalt  }
0x41: {  	_ =	shalt  }
0x42: {  	_ =	shalt  }
0x43: {  	_ =	shalt  }
0x44: {  	_ =	shalt  }
0x45: {  	_ =	shalt  }
0x46: {  	_ =	shalt  }
0x47: {  	_ =	shalt  }
0x48: {  	_ =	shalt  }
0x49: {  	_ =	shalt  }
0x4a: {  	_ =	shalt  }
0x4b: {  	_ =	shalt  }
0x4c: {  	_ =	shalt  }
0x4d: {  	_ =	shalt  }
0x4e: {  	_ =	shalt  }
0x4f: {  	_ =	shalt  }
0x50: {  	_ =	shalt  }
0x51: {  	_ =	shalt  }
0x52: {  	_ =	shalt  }
0x53: {  	_ =	shalt  }
0x54: {  	_ =	shalt  }
0x55: {  	_ =	shalt  }
0x56: {  	_ =	shalt  }
0x57: {  	_ =	shalt  }
0x58: {  	_ =	shalt  }
0x59: {  	_ =	shalt  }
0x5a: {  	_ =	shalt  }
0x5b: {  	_ =	shalt  }
0x5c: {  	_ =	shalt  }
0x5d: {  	_ =	shalt  }
0x5e: {  	_ =	shalt  }
0x5f: {  	_ =	shalt  }
0x60: {  	_ =	shalt  }
0x61: {  	_ =	shalt  }
0x62: {  	_ =	shalt  }
0x63: {  	_ =	shalt  }
0x64: {  	_ =	shalt  }
0x65: {  	_ =	shalt  }
0x66: {  	_ =	shalt  }
0x67: {  	_ =	shalt  }
0x68: {  	_ =	shalt  }
0x69: {  	_ =	shalt  }
0x6a: {  	_ =	shalt  }
0x6b: {  	_ =	shalt  }
0x6c: {  	_ =	shalt  }
0x6d: {  	_ =	shalt  }
0x6e: {  	_ =	shalt  }
0x6f: {  	_ =	shalt  }
0x70: {  	_ =	shalt  }
0x71: {  	_ =	shalt  }
0x72: {  	_ =	shalt  }
0x73: {  	_ =	shalt  }
0x74: {  	_ =	shalt  }
0x75: {  	_ =	shalt  }
0x76: {  	_ =	shalt  }
0x77: {  	_ =	shalt  }
0x78: {  	_ =	shalt  }
0x79: {  	_ =	shalt  }
0x7a: {  	_ =	shalt  }
0x7b: {  	_ =	shalt  }
0x7c: {  	_ =	shalt  }
0x7d: {  	_ =	shalt  }
0x7e: {  	_ =	shalt  }
0x7f: {  	_ =	shalt  }
0x80: {  	_ =	shalt  }
0x81: {  	_ =	shalt  }
0x82: {  	_ =	shalt  }
0x83: {  	_ =	shalt  }
0x84: {  	_ =	shalt  }
0x85: {  	_ =	shalt  }
0x86: {  	_ =	shalt  }
0x87: {  	_ =	shalt  }
.Lfunc_end0:
.L_simem_size_0:
called_computation_lowered:
.L_overlay_start_0:
0x88: {  	s2 =	sld [smem:$0x3FD9]  }
0x89: {  	s3 =	sld [smem:$0x3FFE];
	_ =	sdelay $0x1  }
0x8a: {  	s1 =	srdreg.scid  }
0x8b: {  	s0 =	sand.u32 $0x1, s1  }
0x8c: {  	s17 =	sshll.u32 s0, $0xA;
	s2 =	sadd.s32 s3, s2  }
0x8d: {  	s2 =	sadd.s32 s2, s17  }
0x8e: {  	[smem:$0x3FC4] =	sst s2  }
0x8f: {  	_ = 	snop  }
0x90: {  	s2 =	sld [smem:$0x3FD0];
	(tm) =	ssettm $0x1  }
0x91: {  	s18 =	sld [smem:$0x3FFB];
	_ =	sdelay $0x3  }
0x92: {  	_ =	strace s18  }
0x93: {  	s3 =	sld [smem:$0x3FFC];
	_ =	sdelay $0x3  }
0x94: {  	_ =	strace s3  }
0x95: {  	s3 =	sld [smem:$0x3FFD];
	_ =	sdelay $0x3  }
0x96: {  	_ =	strace s3  }
0x97: {  	_ =	strace $0x8FFFFFFF  }
0x98: {  	s19 =	sld [smem:$0x3FDB];
	_ =	sdelay $0x1  }
0x99: {  	s4 =	simm.s32 $_scs_section_size  }
0x9a: {  	s5 =	simm.s32 $_size__tile_overlayer_lowered;
	s6 =	simm.s32 $_tile_overlayer_lowered  }
0x9b: {  	s22 =	simm.s32 $0x1BFF;
	s21 =	sshll.u32 s6, $0x1;
	s3 =	sadd.s32 s4, s19  }
0x9c: {  	s7 =	simm.s32 $0x0;
	s20 =	sshll.u32 s5, $0x1;
	s5 =	sadd.s32 s21, s3  }
0x9d: {  	[timem:s7], [sflag:s22] =	dma.local [hbm:s5], s20  }
0x9e: {  	_ =	swait.ge [sflag:s22], s20  }
0x9f: {  	s4 =	ssub.s32 $0x0, s20;
	[sflag:s22] =	ssyncset.done $0x0  }
0xa0: {  	[sflag:s22] =	ssyncadd.s32 s4;
	_ =	sdelay $0x1  }
0xa1: {  	s23 =	simm.s32 $0x1B8B  }
0xa2: {  	_ =	swait.ge [sflag:s23], $0x1  }
0xa3: {  	[sflag:s23] =	ssyncset.done $0x0  }
0xa4: {  	s25 =	simm.s32 $0x1B8E;
	s24 =	sld [smem:$0x3FFE];
	[sflag:s23] =	ssyncadd.s32 $0xFFFFFFFF  }
0xa5: {  	s26 =	simm.s32 $execute0_lowered;
	[smem:$0x3FD2] =	sst s25  }
0xa6: {  	s5 =	sshll.u32 s26, $0x1;
	_ =	strace $0x80000046;
	[dreg:$0x1] =	wrdreg $0xFFFFFFFF  }
0xa7: {  	s28 =	simm.s32 $_size_execute0_lowered;
	s3 =	sadd.s32 s3, s5;
	[dreg:$0x0] =	wrdreg $0x0  }
0xa8: {  	s5 =	sshll.u32 s28, $0x1;
	[dreg:$0x2] =	wrdreg s3  }
0xa9: {  	[dreg:$0x3] =	wrdreg s5  }
0xaa: {  	[dreg:$0x4] =	wrdreg $0xC0  }
0xab: {  	_ =	task [dreg:s7], $0x5FFFF  }
0xac: {  	[dreg:$0x1] =	wrdreg $0xFFFFFFFF  }
0xad: {  	[dreg:$0x0] =	wrdreg $0x60  }
0xae: {  	[dreg:$0x2] =	wrdreg s24  }
0xaf: {  	[dreg:$0x3] =	wrdreg s2  }
0xb0: {  	[dreg:$0x4] =	wrdreg $0xD0000  }
0xb1: {  	[dreg:$0x5] =	wrdreg $0x9  }
0xb2: {  	_ =	task.clear_ibuf [dreg:s7], $0x6FFFF;
	_ =	strace $0x90000046  }
0xb3: {  	s29 =	simm.s32 $0x9;
	_ =	strace $0x80000048  }
0xb4: {  	_ =	swait.ge [sflag:s29], $0x1  }
0xb5: {  	[sflag:s29] =	ssyncadd.s32 $0xFFFFFFFF  }
0xb6: {  	_ =	strace $0x90000048  }
0xb7: {  	_ =	sfence  }
0xb8: {  	s30 =	sld [smem:$0x0];
	_ =	sdelay $0x2  }
0xb9: {  	s31 =	sshll.u32 s1, $0xD;
	s1 =	sshrl.u32 s1, $0x2  }
0xba: {  	s3 =	sand.u32 $0x4000, s31;
	s1 =	sadd.s32 s1, s30  }
0xbb: {  	s0 =	sor.u32 s3, s0;
	s1 =	sshll.u32 s1, $0x11  }
0xbc: {  	s0 =	sor.u32 s1, s0  }
0xbd: {  	s0 =	sadd.s32 $0x8F2B, s0  }
0xbe: {  	[sflag:s0] =	ssyncadd.remote.s32 $0x1  }
0xbf: {  	_ =	sfence.sel $0xFFFF  }
0xc0: {  	[dreg:$0x0] =	wrdreg $0xFFFFFFFF;
	(pc) =	sbr.abs _section_cstart, $3  }
0xc1: {  	[dreg:$0x1] =	wrdreg $0xFFFFFFFF  }
0xc2: {  	_ =	task.clear_ibuf [dreg:s7], $0x2FFFF;
	_ =	strace $0x9FFFFFFF  }
0xc3: {  	(tm) =	ssettm $0x7FFFFFFF  }
tec
execute0_lowered:
.L_overlay_start_1:
0x0: {  	(tag) =	ssettag $0x1  }
0x1: {  	s1 =	rddreg [dreg:$0x0]  }
0x2: {  	s0 =	srdreg.scid;
	s4 =	rddreg [dreg:$0x1]  }
0x3: {  	s14 =	stileid.u32;
	s2 =	rddreg [dreg:$0x2]  }
0x4: {  	s21 =	simm.s32 $0x0;
	s31 =	simm.s32 $0x2800;
	s9 =	simm.s32 $0x5000  }
0x5: {  	s12 =	simm.s32 $0x1;
	s10 =	simm.s32 $0x2;
	s25 =	simm.s32 $0x800  }
0x6: {  	s13 =	simm.s32 $0x3;
	s26 =	simm.s32 $0x2C00;
	s11 =	simm.s32 $0x4  }
0x7: {  	s30 =	simm.s32 $0xC00;
	s28 =	simm.s32 $0x1000;
	s29 =	simm.s32 $0x3400  }
0x8: {  	p0 =	por $0x0, $0x0;
	s16 =	simm.s32 $0x2400;
	s17 =	simm.s32 $0x4800  }
0x9: {  	s15 =	simm.s32 $0x4C00;
	s0 =	sand.u32 $0x1, s0;
	[smem:$0x7FF] =	sst s21  }
0xa: {  	s6 =	smul.u32 $0x2780, s14;
	s24 =	sshll.u32 s14, $0x6;
	s3 =	sshll.u32 s0, $0x4  }
0xb: {  	_ =	strace $0x80000047;
	s8 =	smul.u32 $0x27800, s0;
	[dreg:$0x8] =	wrdreg s25  }
0xc: {  	s0 =	ssub.s32 $0x2, s0;
	[dreg:$0x9] =	wrdreg s26;
	s25 =	simm.s32 $0x1400  }
0xd: {  	s26 =	simm.s32 $0x3800;
	s3 =	sor.u32 s14, s3;
	s7 =	sshrl.u32 s6, $0x3  }
0xe: {  	s22 =	sshrl.u32 s0, $0x1;
	s5 =	smul.u32 $0x500, s3;
	s3 =	sadd.s32 $0x14A00, s1  }
0xf: {  	s19 =	sadd.s32 s6, s8;
	s0 =	ssub.s32 s0, s22;
	s6 =	sadd.s32 s6, s2  }
0x10: {  	s8 =	simm.s32 $0x9000;
	s22 =	simm.s32 $0x4000;
	s20 =	sshrl.u32 s19, $0x3  }
0x11: {  	s0 =	smax.u32 s0, $0x1;
	s6 =	sshrl.u32 s6, $0x3;
	s19 =	simm.s32 $0x4400  }
0x12: {  	s5 =	sadd.s32 s5, s1;
	s1 =	sadd.s32 s7, s1;
	s23 =	sadd.s32 s4, s20  }
0x13: {  	s4 =	simm.s32 $0x5;
	s7 =	simm.s32 $0x400;
	p1 =	sne.s32 s0, $0x1  }
.Ltmp0:
0x14: {  	s18 =	sadd.s32 $0xA00, s5;
	[dreg:$0x7] =	wrdreg s23;
	(pc) =	sbr.rel @!p1 .LBB2_1-.Ltmp0, $4  }
0x15: {  	s20 =	simm.s32 $0x3000;
	s5 =	sadd.s32 $0xAA00, s5;
	[dreg:$0x4] =	wrdreg s18  }
0x16: {  	s1 =	sadd.s32 $0x19A00, s1;
	s23 =	simm.s32 $0x1800;
	[dreg:$0x5] =	wrdreg s5  }
0x17: {  	[dreg:$0x6] =	wrdreg s1;
	s5 =	sor.u32 $0x1C05, s24;
	s24 =	simm.s32 $0x3C00  }
0x18: {  	s1 =	sadd.s32 $0xFFFFFFFF, s0;
	s18 =	simm.s32 $0x2000;
	s0 =	rddreg [dreg:$0x4]  }
0x19: {  	[tilespmem:s21], [sflag:$0x5] =	stream.linear.gather [hbm4b:s0+s21], $0x2800, $0x38;
	[tilespmem:$0xF780] =	vst v63  }
0x1a: {  	_ =	swait.ge [sflag:s4], $0x2800  }
0x1b: {  	[sflag:s4] =	ssyncset.done $0x0  }
0x1c: {  	s14 =	rddreg [dreg:$0x5];
	[sflag:s4] =	ssyncadd.s32 $0xFFFFD800  }
0x1d: {  	[tilespmem:s31], [sflag:$0x5] =	stream.linear.gather [hbm4b:s14+s21], $0x2800, $0x38;
	[tilespmem:$0xF780] =	vst v63  }
0x1e: {  	_ =	swait.ge [sflag:s4], $0x2800  }
0x1f: {  	[sflag:s4] =	ssyncset.done $0x0  }
0x20: {  	s14 =	rddreg [dreg:$0x6];
	[sflag:s4] =	ssyncadd.s32 $0xFFFFD800  }
0x21: {  	[spmem:s6], [sflag:s5] =	dma.local [hbm:s14], $0x4F0  }
0x22: {  	_ =	swait.ge [sflag:s4], $0x4F0  }
0x23: {  	[sflag:s4] =	ssyncset.done $0x0  }
0x24: {  	[sflag:s4] =	ssyncadd.s32 $0xFFFFFB10  }
0x25: {  	[bflag:$0x0] =	sbarrier.arrive $0xFFFF  }
0x26: {  	[tilespmem:s9], [sflag:$0x1] =	stream.indirect.gather [hbm4b:s3+s7], $0x10, s21, s7, $0xb8;
	[tilespmem:$0xF780] =	vst v63  }
0x27: {  	_ =	swait.ge [sflag:s12], $0x4000  }
0x28: {  	[sflag:s12] =	ssyncset.done $0x0  }
0x29: {  	[sflag:s12] =	ssyncadd.s32 $0xFFFFC000  }
0x2a: {  	[tilespmem:s8], [sflag:$0x2] =	stream.indirect.gather [hbm4b:s3+s7], $0x10, s7, s7, $0xb8;
	[tilespmem:$0xF780] =	vst v63  }
0x2b: {  	_ = 	snop  }
0x2c: {  	[spmem:s2] =	stream.indirect.scatter.add.f32 [tilespmem:s9], [sflag:$0x3], $0x10, s31, s7, $0xb8;
	[tilespmem:$0xF780] =	vst v63  }
0x2d: {  	_ =	swait.ge [sflag:s10], $0x4000  }
0x2e: {  	[sflag:s10] =	ssyncset.done $0x0  }
0x2f: {  	[sflag:s10] =	ssyncadd.s32 $0xFFFFC000  }
0x30: {  	_ =	swait.ge [sflag:s13], $0x4000  }
0x31: {  	[sflag:s13] =	ssyncset.done $0x0  }
0x32: {  	s0 =	rddreg [dreg:$0x8];
	[sflag:s13] =	ssyncadd.s32 $0xFFFFC000  }
0x33: {  	[tilespmem:s9], [sflag:$0x1] =	stream.indirect.gather [hbm4b:s3+s7], $0x10, s0, s7, $0xb8;
	[tilespmem:$0xF780] =	vst v63  }
0x34: {  	s14 =	smov.u32 s1;
	s1 =	rddreg [dreg:$0x9]  }
0x35: {  	[spmem:s2] =	stream.indirect.scatter.add.f32 [tilespmem:s8], [sflag:$0x4], $0x10, s1, s7, $0xb8;
	[tilespmem:$0xF780] =	vst v63  }
0x36: {  	_ =	swait.ge [sflag:s12], $0x4000  }
0x37: {  	[sflag:s12] =	ssyncset.done $0x0  }
0x38: {  	[sflag:s12] =	ssyncadd.s32 $0xFFFFC000  }
0x39: {  	_ =	swait.ge [sflag:s11], $0x4000  }
0x3a: {  	[sflag:s11] =	ssyncset.done $0x0  }
0x3b: {  	[sflag:s11] =	ssyncadd.s32 $0xFFFFC000  }
0x3c: {  	[tilespmem:s8], [sflag:$0x2] =	stream.indirect.gather [hbm4b:s3+s7], $0x10, s30, s7, $0xb8;
	[tilespmem:$0xF780] =	vst v63  }
0x3d: {  	_ = 	snop  }
0x3e: {  	[spmem:s2] =	stream.indirect.scatter.add.f32 [tilespmem:s9], [sflag:$0x3], $0x10, s20, s7, $0xb8;
	[tilespmem:$0xF780] =	vst v63  }
0x3f: {  	_ =	swait.ge [sflag:s10], $0x4000  }
0x40: {  	[sflag:s10] =	ssyncset.done $0x0  }
0x41: {  	[sflag:s10] =	ssyncadd.s32 $0xFFFFC000  }
0x42: {  	_ =	swait.ge [sflag:s13], $0x4000  }
0x43: {  	[sflag:s13] =	ssyncset.done $0x0  }
0x44: {  	[sflag:s13] =	ssyncadd.s32 $0xFFFFC000  }
0x45: {  	[tilespmem:s9], [sflag:$0x1] =	stream.indirect.gather [hbm4b:s3+s7], $0x10, s28, s7, $0xb8;
	[tilespmem:$0xF780] =	vst v63  }
0x46: {  	_ = 	snop  }
0x47: {  	[spmem:s2] =	stream.indirect.scatter.add.f32 [tilespmem:s8], [sflag:$0x4], $0x10, s29, s7, $0xb8;
	[tilespmem:$0xF780] =	vst v63  }
0x48: {  	_ =	swait.ge [sflag:s12], $0x4000  }
0x49: {  	[sflag:s12] =	ssyncset.done $0x0  }
0x4a: {  	[sflag:s12] =	ssyncadd.s32 $0xFFFFC000  }
0x4b: {  	_ =	swait.ge [sflag:s11], $0x4000  }
0x4c: {  	[sflag:s11] =	ssyncset.done $0x0  }
0x4d: {  	[sflag:s11] =	ssyncadd.s32 $0xFFFFC000  }
0x4e: {  	[tilespmem:s8], [sflag:$0x2] =	stream.indirect.gather [hbm4b:s3+s7], $0x10, s25, s7, $0xb8;
	[tilespmem:$0xF780] =	vst v63  }
0x4f: {  	_ = 	snop  }
0x50: {  	[spmem:s2] =	stream.indirect.scatter.add.f32 [tilespmem:s9], [sflag:$0x3], $0x10, s26, s7, $0xb8;
	[tilespmem:$0xF780] =	vst v63  }
0x51: {  	_ =	swait.ge [sflag:s10], $0x4000  }
0x52: {  	[sflag:s10] =	ssyncset.done $0x0  }
0x53: {  	[sflag:s10] =	ssyncadd.s32 $0xFFFFC000  }
0x54: {  	_ =	swait.ge [sflag:s13], $0x4000  }
0x55: {  	[sflag:s13] =	ssyncset.done $0x0  }
0x56: {  	[sflag:s13] =	ssyncadd.s32 $0xFFFFC000  }
0x57: {  	[tilespmem:s9], [sflag:$0x1] =	stream.indirect.gather [hbm4b:s3+s7], $0x10, s23, s7, $0xb8;
	[tilespmem:$0xF780] =	vst v63  }
0x58: {  	_ = 	snop  }
0x59: {  	[spmem:s2] =	stream.indirect.scatter.add.f32 [tilespmem:s8], [sflag:$0x4], $0x10, s24, s7, $0xb8;
	[tilespmem:$0xF780] =	vst v63  }
0x5a: {  	_ =	swait.ge [sflag:s12], $0x4000  }
0x5b: {  	[sflag:s12] =	ssyncset.done $0x0  }
0x5c: {  	[sflag:s12] =	ssyncadd.s32 $0xFFFFC000  }
0x5d: {  	_ =	swait.ge [sflag:s11], $0x4000  }
0x5e: {  	[sflag:s11] =	ssyncset.done $0x0  }
0x5f: {  	s1 =	simm.s32 $0x1C00;
	[sflag:s11] =	ssyncadd.s32 $0xFFFFC000  }
0x60: {  	[tilespmem:s8], [sflag:$0x2] =	stream.indirect.gather [hbm4b:s3+s7], $0x10, s1, s7, $0xb8;
	[tilespmem:$0xF780] =	vst v63  }
0x61: {  	_ = 	snop  }
0x62: {  	[spmem:s2] =	stream.indirect.scatter.add.f32 [tilespmem:s9], [sflag:$0x3], $0x10, s22, s7, $0xb8;
	[tilespmem:$0xF780] =	vst v63  }
0x63: {  	_ =	swait.ge [sflag:s10], $0x4000  }
0x64: {  	[sflag:s10] =	ssyncset.done $0x0  }
0x65: {  	[sflag:s10] =	ssyncadd.s32 $0xFFFFC000  }
0x66: {  	_ =	swait.ge [sflag:s13], $0x4000  }
0x67: {  	[sflag:s13] =	ssyncset.done $0x0  }
0x68: {  	[sflag:s13] =	ssyncadd.s32 $0xFFFFC000  }
0x69: {  	[tilespmem:s9], [sflag:$0x1] =	stream.indirect.gather [hbm4b:s3+s7], $0x10, s18, s7, $0xb8;
	[tilespmem:$0xF780] =	vst v63  }
0x6a: {  	_ = 	snop  }
0x6b: {  	[spmem:s2] =	stream.indirect.scatter.add.f32 [tilespmem:s8], [sflag:$0x4], $0x10, s19, s7, $0xb8;
	[tilespmem:$0xF780] =	vst v63  }
0x6c: {  	_ =	swait.ge [sflag:s12], $0x4000  }
0x6d: {  	[sflag:s12] =	ssyncset.done $0x0  }
0x6e: {  	[sflag:s12] =	ssyncadd.s32 $0xFFFFC000  }
0x6f: {  	_ =	swait.ge [sflag:s11], $0x4000  }
0x70: {  	[sflag:s11] =	ssyncset.done $0x0  }
0x71: {  	[sflag:s11] =	ssyncadd.s32 $0xFFFFC000  }
0x72: {  	[tilespmem:s8], [sflag:$0x2] =	stream.indirect.gather [hbm4b:s3+s7], $0x10, s16, s7, $0xb8;
	[tilespmem:$0xF780] =	vst v63  }
0x73: {  	_ = 	snop  }
0x74: {  	[spmem:s2] =	stream.indirect.scatter.add.f32 [tilespmem:s9], [sflag:$0x3], $0x10, s17, s7, $0xb8;
	[tilespmem:$0xF780] =	vst v63  }
0x75: {  	_ =	swait.ge [sflag:s10], $0x4000  }
0x76: {  	[sflag:s10] =	ssyncset.done $0x0  }
0x77: {  	[sflag:s10] =	ssyncadd.s32 $0xFFFFC000  }
0x78: {  	[spmem:s2] =	stream.indirect.scatter.add.f32 [tilespmem:s8], [sflag:$0x4], $0x10, s15, s7, $0xb8;
	[tilespmem:$0xF780] =	vst v63  }
0x79: {  	_ =	swait.ge [sflag:s11], $0x4000  }
0x7a: {  	[sflag:s11] =	ssyncset.done $0x0  }
0x7b: {  	p1 =	sne.s32 s14, $0x1;
	[sflag:s11] =	ssyncadd.s32 $0xFFFFC000  }
.Ltmp1:
0x7c: {  	[bflag:$0x0] =	sbarrier.arrive $0xFFFF;
	(pc) =	sbr.rel @!p1 .LBB2_3-.Ltmp1, $4  }
0x7d: {  	s1 =	rddreg [dreg:$0x7]  }
0x7e: {  	[hbm:s1], [sflag:s5] =	dma.local [spmem:s6], $0x4F0  }
0x7f: {  	p0 =	por $0x1, $0x1;
	_ =	swait.ge [sflag:s4], $0x4F0  }
0x80: {  	s1 =	sadd.s32 $0xFFFFFFFF, s14;
	s0 =	rddreg [dreg:$0x4];
	[sflag:s4] =	ssyncset.done $0x0  }
.LBB2_4:
0x81: {  	[sflag:s4] =	ssyncadd.s32 $0xFFFFFB10  }
0x82: {  	[tilespmem:s21], [sflag:$0x5] =	stream.linear.gather [hbm4b:s0+s21], $0x2800, $0x38;
	[tilespmem:$0xF780] =	vst v63  }
0x83: {  	_ =	swait.ge [sflag:s4], $0x2800  }
0x84: {  	[sflag:s4] =	ssyncset.done $0x0  }
0x85: {  	s14 =	rddreg [dreg:$0x5];
	[sflag:s4] =	ssyncadd.s32 $0xFFFFD800  }
0x86: {  	[tilespmem:s31], [sflag:$0x5] =	stream.linear.gather [hbm4b:s14+s21], $0x2800, $0x38;
	[tilespmem:$0xF780] =	vst v63  }
0x87: {  	_ =	swait.ge [sflag:s4], $0x2800  }
0x88: {  	[sflag:s4] =	ssyncset.done $0x0  }
0x89: {  	s14 =	rddreg [dreg:$0x6];
	[sflag:s4] =	ssyncadd.s32 $0xFFFFD800  }
0x8a: {  	[spmem:s6], [sflag:s5] =	dma.local [hbm:s14], $0x4F0  }
0x8b: {  	_ =	swait.ge [sflag:s4], $0x4F0  }
0x8c: {  	[sflag:s4] =	ssyncset.done $0x0  }
0x8d: {  	[sflag:s4] =	ssyncadd.s32 $0xFFFFFB10  }
0x8e: {  	[bflag:$0x0] =	sbarrier.arrive $0xFFFF  }
0x8f: {  	[tilespmem:s9], [sflag:$0x1] =	stream.indirect.gather [hbm4b:s3+s7], $0x10, s21, s7, $0xb8;
	[tilespmem:$0xF780] =	vst v63  }
0x90: {  	_ =	swait.ge [sflag:s12], $0x4000  }
0x91: {  	[sflag:s12] =	ssyncset.done $0x0  }
0x92: {  	[sflag:s12] =	ssyncadd.s32 $0xFFFFC000  }
0x93: {  	[tilespmem:s8], [sflag:$0x2] =	stream.indirect.gather [hbm4b:s3+s7], $0x10, s7, s7, $0xb8;
	[tilespmem:$0xF780] =	vst v63  }
0x94: {  	_ = 	snop  }
0x95: {  	[spmem:s2] =	stream.indirect.scatter.add.f32 [tilespmem:s9], [sflag:$0x3], $0x10, s31, s7, $0xb8;
	[tilespmem:$0xF780] =	vst v63  }
0x96: {  	_ =	swait.ge [sflag:s10], $0x4000  }
0x97: {  	[sflag:s10] =	ssyncset.done $0x0  }
0x98: {  	[sflag:s10] =	ssyncadd.s32 $0xFFFFC000  }
0x99: {  	_ =	swait.ge [sflag:s13], $0x4000  }
0x9a: {  	[sflag:s13] =	ssyncset.done $0x0  }
0x9b: {  	s0 =	rddreg [dreg:$0x8];
	[sflag:s13] =	ssyncadd.s32 $0xFFFFC000  }
0x9c: {  	[tilespmem:s9], [sflag:$0x1] =	stream.indirect.gather [hbm4b:s3+s7], $0x10, s0, s7, $0xb8;
	[tilespmem:$0xF780] =	vst v63  }
0x9d: {  	s14 =	rddreg [dreg:$0x9]  }
0x9e: {  	[spmem:s2] =	stream.indirect.scatter.add.f32 [tilespmem:s8], [sflag:$0x4], $0x10, s14, s7, $0xb8;
	[tilespmem:$0xF780] =	vst v63  }
0x9f: {  	_ =	swait.ge [sflag:s12], $0x4000  }
0xa0: {  	[sflag:s12] =	ssyncset.done $0x0  }
0xa1: {  	[sflag:s12] =	ssyncadd.s32 $0xFFFFC000  }
0xa2: {  	_ =	swait.ge [sflag:s11], $0x4000  }
0xa3: {  	[sflag:s11] =	ssyncset.done $0x0  }
0xa4: {  	[sflag:s11] =	ssyncadd.s32 $0xFFFFC000  }
0xa5: {  	[tilespmem:s8], [sflag:$0x2] =	stream.indirect.gather [hbm4b:s3+s7], $0x10, s30, s7, $0xb8;
	[tilespmem:$0xF780] =	vst v63  }
0xa6: {  	_ = 	snop  }
0xa7: {  	[spmem:s2] =	stream.indirect.scatter.add.f32 [tilespmem:s9], [sflag:$0x3], $0x10, s20, s7, $0xb8;
	[tilespmem:$0xF780] =	vst v63  }
0xa8: {  	_ =	swait.ge [sflag:s10], $0x4000  }
0xa9: {  	[sflag:s10] =	ssyncset.done $0x0  }
0xaa: {  	[sflag:s10] =	ssyncadd.s32 $0xFFFFC000  }
0xab: {  	_ =	swait.ge [sflag:s13], $0x4000  }
0xac: {  	[sflag:s13] =	ssyncset.done $0x0  }
0xad: {  	[sflag:s13] =	ssyncadd.s32 $0xFFFFC000  }
0xae: {  	[tilespmem:s9], [sflag:$0x1] =	stream.indirect.gather [hbm4b:s3+s7], $0x10, s28, s7, $0xb8;
	[tilespmem:$0xF780] =	vst v63  }
0xaf: {  	_ = 	snop  }
0xb0: {  	[spmem:s2] =	stream.indirect.scatter.add.f32 [tilespmem:s8], [sflag:$0x4], $0x10, s29, s7, $0xb8;
	[tilespmem:$0xF780] =	vst v63  }
0xb1: {  	_ =	swait.ge [sflag:s12], $0x4000  }
0xb2: {  	[sflag:s12] =	ssyncset.done $0x0  }
0xb3: {  	[sflag:s12] =	ssyncadd.s32 $0xFFFFC000  }
0xb4: {  	_ =	swait.ge [sflag:s11], $0x4000  }
0xb5: {  	[sflag:s11] =	ssyncset.done $0x0  }
0xb6: {  	[sflag:s11] =	ssyncadd.s32 $0xFFFFC000  }
0xb7: {  	[tilespmem:s8], [sflag:$0x2] =	stream.indirect.gather [hbm4b:s3+s7], $0x10, s25, s7, $0xb8;
	[tilespmem:$0xF780] =	vst v63  }
0xb8: {  	_ = 	snop  }
0xb9: {  	[spmem:s2] =	stream.indirect.scatter.add.f32 [tilespmem:s9], [sflag:$0x3], $0x10, s26, s7, $0xb8;
	[tilespmem:$0xF780] =	vst v63  }
0xba: {  	_ =	swait.ge [sflag:s10], $0x4000  }
0xbb: {  	[sflag:s10] =	ssyncset.done $0x0  }
0xbc: {  	[sflag:s10] =	ssyncadd.s32 $0xFFFFC000  }
0xbd: {  	_ =	swait.ge [sflag:s13], $0x4000  }
0xbe: {  	[sflag:s13] =	ssyncset.done $0x0  }
0xbf: {  	[sflag:s13] =	ssyncadd.s32 $0xFFFFC000  }
0xc0: {  	[tilespmem:s9], [sflag:$0x1] =	stream.indirect.gather [hbm4b:s3+s7], $0x10, s23, s7, $0xb8;
	[tilespmem:$0xF780] =	vst v63  }
0xc1: {  	_ = 	snop  }
0xc2: {  	[spmem:s2] =	stream.indirect.scatter.add.f32 [tilespmem:s8], [sflag:$0x4], $0x10, s24, s7, $0xb8;
	[tilespmem:$0xF780] =	vst v63  }
0xc3: {  	_ =	swait.ge [sflag:s12], $0x4000  }
0xc4: {  	[sflag:s12] =	ssyncset.done $0x0  }
0xc5: {  	[sflag:s12] =	ssyncadd.s32 $0xFFFFC000  }
0xc6: {  	_ =	swait.ge [sflag:s11], $0x4000  }
0xc7: {  	[sflag:s11] =	ssyncset.done $0x0  }
0xc8: {  	s14 =	simm.s32 $0x1C00;
	[sflag:s11] =	ssyncadd.s32 $0xFFFFC000  }
0xc9: {  	[tilespmem:s8], [sflag:$0x2] =	stream.indirect.gather [hbm4b:s3+s7], $0x10, s14, s7, $0xb8;
	[tilespmem:$0xF780] =	vst v63  }
0xca: {  	_ = 	snop  }
0xcb: {  	[spmem:s2] =	stream.indirect.scatter.add.f32 [tilespmem:s9], [sflag:$0x3], $0x10, s22, s7, $0xb8;
	[tilespmem:$0xF780] =	vst v63  }
0xcc: {  	_ =	swait.ge [sflag:s10], $0x4000  }
0xcd: {  	[sflag:s10] =	ssyncset.done $0x0  }
0xce: {  	[sflag:s10] =	ssyncadd.s32 $0xFFFFC000  }
0xcf: {  	_ =	swait.ge [sflag:s13], $0x4000  }
0xd0: {  	[sflag:s13] =	ssyncset.done $0x0  }
0xd1: {  	[sflag:s13] =	ssyncadd.s32 $0xFFFFC000  }
0xd2: {  	[tilespmem:s9], [sflag:$0x1] =	stream.indirect.gather [hbm4b:s3+s7], $0x10, s18, s7, $0xb8;
	[tilespmem:$0xF780] =	vst v63  }
0xd3: {  	_ = 	snop  }
0xd4: {  	[spmem:s2] =	stream.indirect.scatter.add.f32 [tilespmem:s8], [sflag:$0x4], $0x10, s19, s7, $0xb8;
	[tilespmem:$0xF780] =	vst v63  }
0xd5: {  	_ =	swait.ge [sflag:s12], $0x4000  }
0xd6: {  	[sflag:s12] =	ssyncset.done $0x0  }
0xd7: {  	[sflag:s12] =	ssyncadd.s32 $0xFFFFC000  }
0xd8: {  	_ =	swait.ge [sflag:s11], $0x4000  }
0xd9: {  	[sflag:s11] =	ssyncset.done $0x0  }
0xda: {  	[sflag:s11] =	ssyncadd.s32 $0xFFFFC000  }
0xdb: {  	[tilespmem:s8], [sflag:$0x2] =	stream.indirect.gather [hbm4b:s3+s7], $0x10, s16, s7, $0xb8;
	[tilespmem:$0xF780] =	vst v63  }
0xdc: {  	_ = 	snop  }
0xdd: {  	[spmem:s2] =	stream.indirect.scatter.add.f32 [tilespmem:s9], [sflag:$0x3], $0x10, s17, s7, $0xb8;
	[tilespmem:$0xF780] =	vst v63  }
0xde: {  	_ =	swait.ge [sflag:s10], $0x4000  }
0xdf: {  	[sflag:s10] =	ssyncset.done $0x0  }
0xe0: {  	[sflag:s10] =	ssyncadd.s32 $0xFFFFC000  }
0xe1: {  	[spmem:s2] =	stream.indirect.scatter.add.f32 [tilespmem:s8], [sflag:$0x4], $0x10, s15, s7, $0xb8;
	[tilespmem:$0xF780] =	vst v63  }
0xe2: {  	_ =	swait.ge [sflag:s11], $0x4000  }
0xe3: {  	[sflag:s11] =	ssyncset.done $0x0  }
0xe4: {  	p1 =	sne.s32 s1, $0x1;
	[sflag:s11] =	ssyncadd.s32 $0xFFFFC000  }
.Ltmp2:
0xe5: {  	[bflag:$0x0] =	sbarrier.arrive $0xFFFF;
	(pc) =	sbr.rel @p1 .LBB2_4-.Ltmp2, $4  }
0xe6: {  	s14 =	rddreg [dreg:$0x7]  }
0xe7: {  	[hbm:s14], [sflag:s5] =	dma.local [spmem:s6], $0x4F0  }
0xe8: {  	_ =	swait.ge [sflag:s4], $0x4F0  }
0xe9: {  	s1 =	sadd.s32 $0xFFFFFFFF, s1;
	s0 =	rddreg [dreg:$0x4];
	[sflag:s4] =	ssyncset.done $0x0  }
0xea: {  	s15 =	simm.s32 $0x3000;
	s30 =	simm.s32 $0xC00;
	s29 =	simm.s32 $0x3400  }
0xeb: {  	s28 =	simm.s32 $0x1000;
	s26 =	simm.s32 $0x3800;
	s25 =	simm.s32 $0x1400  }
0xec: {  	s24 =	simm.s32 $0x3C00;
	s23 =	simm.s32 $0x1800;
	s22 =	simm.s32 $0x4000  }
0xed: {  	s20 =	simm.s32 $0x1C00;
	s19 =	simm.s32 $0x4400;
	s18 =	simm.s32 $0x2000  }
0xee: {  	s17 =	simm.s32 $0x4800;
	s16 =	simm.s32 $0x2400;
	s14 =	stileid.u32  }
.LBB2_6:
0xef: {  	[sflag:s4] =	ssyncadd.s32 @p0 $0xFFFFFB10  }
0xf0: {  	[tilespmem:s21], [sflag:$0x5] =	stream.linear.gather [hbm4b:s0+s21], $0x2800, $0x38;
	[tilespmem:$0xF780] =	vst v63  }
0xf1: {  	_ =	swait.ge [sflag:s4], $0x2800  }
0xf2: {  	[sflag:s4] =	ssyncset.done $0x0  }
0xf3: {  	s1 =	rddreg [dreg:$0x5];
	[sflag:s4] =	ssyncadd.s32 $0xFFFFD800  }
0xf4: {  	[tilespmem:s31], [sflag:$0x5] =	stream.linear.gather [hbm4b:s1+s21], $0x2800, $0x38;
	[tilespmem:$0xF780] =	vst v63  }
0xf5: {  	_ =	swait.ge [sflag:s4], $0x2800  }
0xf6: {  	[sflag:s4] =	ssyncset.done $0x0  }
0xf7: {  	s1 =	rddreg [dreg:$0x6];
	[sflag:s4] =	ssyncadd.s32 $0xFFFFD800  }
0xf8: {  	[spmem:s6], [sflag:s5] =	dma.local [hbm:s1], $0x4F0  }
0xf9: {  	_ =	swait.ge [sflag:s4], $0x4F0  }
0xfa: {  	[sflag:s4] =	ssyncset.done $0x0  }
0xfb: {  	[sflag:s4] =	ssyncadd.s32 $0xFFFFFB10  }
0xfc: {  	[bflag:$0x0] =	sbarrier.arrive $0xFFFF  }
0xfd: {  	[tilespmem:s9], [sflag:$0x1] =	stream.indirect.gather [hbm4b:s3+s7], $0x10, s21, s7, $0xb8;
	[tilespmem:$0xF780] =	vst v63  }
0xfe: {  	_ =	swait.ge [sflag:s12], $0x4000  }
0xff: {  	[sflag:s12] =	ssyncset.done $0x0  }
0x100: {  	[sflag:s12] =	ssyncadd.s32 $0xFFFFC000  }
0x101: {  	[tilespmem:s8], [sflag:$0x2] =	stream.indirect.gather [hbm4b:s3+s7], $0x10, s7, s7, $0xb8;
	[tilespmem:$0xF780] =	vst v63  }
0x102: {  	_ = 	snop  }
0x103: {  	[spmem:s2] =	stream.indirect.scatter.add.f32 [tilespmem:s9], [sflag:$0x3], $0x10, s31, s7, $0xb8;
	[tilespmem:$0xF780] =	vst v63  }
0x104: {  	_ =	swait.ge [sflag:s10], $0x4000  }
0x105: {  	[sflag:s10] =	ssyncset.done $0x0  }
0x106: {  	[sflag:s10] =	ssyncadd.s32 $0xFFFFC000  }
0x107: {  	_ =	swait.ge [sflag:s13], $0x4000  }
0x108: {  	[sflag:s13] =	ssyncset.done $0x0  }
0x109: {  	s21 =	rddreg [dreg:$0x8];
	[sflag:s13] =	ssyncadd.s32 $0xFFFFC000  }
0x10a: {  	[tilespmem:s9], [sflag:$0x1] =	stream.indirect.gather [hbm4b:s3+s7], $0x10, s21, s7, $0xb8;
	[tilespmem:$0xF780] =	vst v63  }
0x10b: {  	s1 =	rddreg [dreg:$0x9]  }
0x10c: {  	[spmem:s2] =	stream.indirect.scatter.add.f32 [tilespmem:s8], [sflag:$0x4], $0x10, s1, s7, $0xb8;
	[tilespmem:$0xF780] =	vst v63  }
0x10d: {  	_ =	swait.ge [sflag:s12], $0x4000  }
0x10e: {  	[sflag:s12] =	ssyncset.done $0x0  }
0x10f: {  	[sflag:s12] =	ssyncadd.s32 $0xFFFFC000  }
0x110: {  	_ =	swait.ge [sflag:s11], $0x4000  }
0x111: {  	[sflag:s11] =	ssyncset.done $0x0  }
0x112: {  	[sflag:s11] =	ssyncadd.s32 $0xFFFFC000  }
0x113: {  	[tilespmem:s8], [sflag:$0x2] =	stream.indirect.gather [hbm4b:s3+s7], $0x10, s30, s7, $0xb8;
	[tilespmem:$0xF780] =	vst v63  }
0x114: {  	_ = 	snop  }
0x115: {  	[spmem:s2] =	stream.indirect.scatter.add.f32 [tilespmem:s9], [sflag:$0x3], $0x10, s15, s7, $0xb8;
	[tilespmem:$0xF780] =	vst v63  }
0x116: {  	_ =	swait.ge [sflag:s10], $0x4000  }
0x117: {  	[sflag:s10] =	ssyncset.done $0x0  }
0x118: {  	[sflag:s10] =	ssyncadd.s32 $0xFFFFC000  }
0x119: {  	_ =	swait.ge [sflag:s13], $0x4000  }
0x11a: {  	[sflag:s13] =	ssyncset.done $0x0  }
0x11b: {  	[sflag:s13] =	ssyncadd.s32 $0xFFFFC000  }
0x11c: {  	[tilespmem:s9], [sflag:$0x1] =	stream.indirect.gather [hbm4b:s3+s7], $0x10, s28, s7, $0xb8;
	[tilespmem:$0xF780] =	vst v63  }
0x11d: {  	_ = 	snop  }
0x11e: {  	[spmem:s2] =	stream.indirect.scatter.add.f32 [tilespmem:s8], [sflag:$0x4], $0x10, s29, s7, $0xb8;
	[tilespmem:$0xF780] =	vst v63  }
0x11f: {  	_ =	swait.ge [sflag:s12], $0x4000  }
0x120: {  	[sflag:s12] =	ssyncset.done $0x0  }
0x121: {  	[sflag:s12] =	ssyncadd.s32 $0xFFFFC000  }
0x122: {  	_ =	swait.ge [sflag:s11], $0x4000  }
0x123: {  	[sflag:s11] =	ssyncset.done $0x0  }
0x124: {  	[sflag:s11] =	ssyncadd.s32 $0xFFFFC000  }
0x125: {  	[tilespmem:s8], [sflag:$0x2] =	stream.indirect.gather [hbm4b:s3+s7], $0x10, s25, s7, $0xb8;
	[tilespmem:$0xF780] =	vst v63  }
0x126: {  	_ = 	snop  }
0x127: {  	[spmem:s2] =	stream.indirect.scatter.add.f32 [tilespmem:s9], [sflag:$0x3], $0x10, s26, s7, $0xb8;
	[tilespmem:$0xF780] =	vst v63  }
0x128: {  	_ =	swait.ge [sflag:s10], $0x4000  }
0x129: {  	[sflag:s10] =	ssyncset.done $0x0  }
0x12a: {  	[sflag:s10] =	ssyncadd.s32 $0xFFFFC000  }
0x12b: {  	_ =	swait.ge [sflag:s13], $0x4000  }
0x12c: {  	[sflag:s13] =	ssyncset.done $0x0  }
0x12d: {  	[sflag:s13] =	ssyncadd.s32 $0xFFFFC000  }
0x12e: {  	[tilespmem:s9], [sflag:$0x1] =	stream.indirect.gather [hbm4b:s3+s7], $0x10, s23, s7, $0xb8;
	[tilespmem:$0xF780] =	vst v63  }
0x12f: {  	_ = 	snop  }
0x130: {  	[spmem:s2] =	stream.indirect.scatter.add.f32 [tilespmem:s8], [sflag:$0x4], $0x10, s24, s7, $0xb8;
	[tilespmem:$0xF780] =	vst v63  }
0x131: {  	_ =	swait.ge [sflag:s12], $0x4000  }
0x132: {  	[sflag:s12] =	ssyncset.done $0x0  }
0x133: {  	[sflag:s12] =	ssyncadd.s32 $0xFFFFC000  }
0x134: {  	_ =	swait.ge [sflag:s11], $0x4000  }
0x135: {  	[sflag:s11] =	ssyncset.done $0x0  }
0x136: {  	[sflag:s11] =	ssyncadd.s32 $0xFFFFC000  }
0x137: {  	[tilespmem:s8], [sflag:$0x2] =	stream.indirect.gather [hbm4b:s3+s7], $0x10, s20, s7, $0xb8;
	[tilespmem:$0xF780] =	vst v63  }
0x138: {  	_ = 	snop  }
0x139: {  	[spmem:s2] =	stream.indirect.scatter.add.f32 [tilespmem:s9], [sflag:$0x3], $0x10, s22, s7, $0xb8;
	[tilespmem:$0xF780] =	vst v63  }
0x13a: {  	_ =	swait.ge [sflag:s10], $0x4000  }
0x13b: {  	[sflag:s10] =	ssyncset.done $0x0  }
0x13c: {  	[sflag:s10] =	ssyncadd.s32 $0xFFFFC000  }
0x13d: {  	_ =	swait.ge [sflag:s13], $0x4000  }
0x13e: {  	[sflag:s13] =	ssyncset.done $0x0  }
0x13f: {  	[sflag:s13] =	ssyncadd.s32 $0xFFFFC000  }
0x140: {  	[tilespmem:s9], [sflag:$0x1] =	stream.indirect.gather [hbm4b:s3+s7], $0x10, s18, s7, $0xb8;
	[tilespmem:$0xF780] =	vst v63  }
0x141: {  	_ = 	snop  }
0x142: {  	[spmem:s2] =	stream.indirect.scatter.add.f32 [tilespmem:s8], [sflag:$0x4], $0x10, s19, s7, $0xb8;
	[tilespmem:$0xF780] =	vst v63  }
0x143: {  	_ =	swait.ge [sflag:s12], $0x4000  }
0x144: {  	[sflag:s12] =	ssyncset.done $0x0  }
0x145: {  	[sflag:s12] =	ssyncadd.s32 $0xFFFFC000  }
0x146: {  	_ =	swait.ge [sflag:s11], $0x4000  }
0x147: {  	[sflag:s11] =	ssyncset.done $0x0  }
0x148: {  	[sflag:s11] =	ssyncadd.s32 $0xFFFFC000  }
0x149: {  	[tilespmem:s8], [sflag:$0x2] =	stream.indirect.gather [hbm4b:s3+s7], $0x10, s16, s7, $0xb8;
	[tilespmem:$0xF780] =	vst v63  }
0x14a: {  	_ = 	snop  }
0x14b: {  	[spmem:s2] =	stream.indirect.scatter.add.f32 [tilespmem:s9], [sflag:$0x3], $0x10, s17, s7, $0xb8;
	[tilespmem:$0xF780] =	vst v63  }
0x14c: {  	_ =	swait.ge [sflag:s10], $0x4000  }
0x14d: {  	[sflag:s10] =	ssyncset.done $0x0  }
0x14e: {  	s30 =	simm.s32 $0x4C00;
	[sflag:s10] =	ssyncadd.s32 $0xFFFFC000  }
0x14f: {  	[spmem:s2] =	stream.indirect.scatter.add.f32 [tilespmem:s8], [sflag:$0x4], $0x10, s30, s7, $0xb8;
	[tilespmem:$0xF780] =	vst v63  }
0x150: {  	_ =	swait.ge [sflag:s11], $0x4000  }
0x151: {  	[sflag:s11] =	ssyncset.done $0x0  }
0x152: {  	[sflag:s11] =	ssyncadd.s32 $0xFFFFC000  }
0x153: {  	[bflag:$0x0] =	sbarrier.arrive $0xFFFF  }
0x154: {  	s31 =	rddreg [dreg:$0x7]  }
0x155: {  	[hbm:s31], [sflag:s5] =	dma.local [spmem:s6], $0x4F0  }
0x156: {  	_ =	swait.ge [sflag:s4], $0x4F0  }
0x157: {  	[sflag:s4] =	ssyncset.done $0x0  }
0x158: {  	[sflag:s4] =	ssyncadd.s32 $0xFFFFFB10  }
0x159: {  	_ =	sfence.sel $0x180000  }
0x15a: {  	[bflag:$0x0] =	sbarrier.arrive $0xFFFF  }
0x15b: {  	_ =	strace $0x90000047  }
0x15c: {  	[bflag:$0x2] =	sbarrier.arrive $0xFFFF  }
0x15d: {  	p0 =	sne.s32 s14, $0x0;
	s0 =	rddreg [dreg:$0x3]  }
0x15e: {  	s0 =	sadd.s32 @!p0 $0x100000, s0  }
0x15f: {  	[sflag:s0] =	ssyncadd.tile.s32 @!p0 $0x1;
	_ =	shalt  }
.LBB2_1:
.Ltmp3:
0x160: {  	s15 =	simm.s32 $0x3000;
	s30 =	simm.s32 $0xC00;
	(pc) =	sbr.rel .LBB2_6-.Ltmp3, $4  }
0x161: {  	s29 =	simm.s32 $0x3400;
	s28 =	simm.s32 $0x1000;
	s26 =	simm.s32 $0x3800  }
0x162: {  	s25 =	simm.s32 $0x1400;
	s24 =	simm.s32 $0x3C00;
	s23 =	simm.s32 $0x1800  }
0x163: {  	s22 =	simm.s32 $0x4000;
	s20 =	simm.s32 $0x1C00;
	s19 =	simm.s32 $0x4400  }
0x164: {  	s18 =	simm.s32 $0x2000;
	s17 =	simm.s32 $0x4800;
	s16 =	simm.s32 $0x2400  }
.LBB2_3:
0x165: {  	s15 =	simm.s32 $0x3000  }
.Ltmp4:
0x166: {  	s30 =	simm.s32 $0xC00;
	s29 =	simm.s32 $0x3400;
	(pc) =	sbr.rel .LBB2_6-.Ltmp4, $4  }
0x167: {  	s28 =	simm.s32 $0x1000;
	s26 =	simm.s32 $0x3800;
	s25 =	simm.s32 $0x1400  }
0x168: {  	s24 =	simm.s32 $0x3C00;
	s23 =	simm.s32 $0x1800;
	s22 =	simm.s32 $0x4000  }
0x169: {  	s20 =	simm.s32 $0x1C00;
	s19 =	simm.s32 $0x4400;
	s18 =	simm.s32 $0x2000  }
0x16a: {  	s17 =	simm.s32 $0x4800;
	s16 =	simm.s32 $0x2400;
	s14 =	stileid.u32  }
.Lfunc_end2:
_tile_overlayer_lowered:
.L_overlay_start_2:
0x16b: {  	(tag) =	ssettag $0x2  }
0x16c: {  	s0 =	rddreg [dreg:$0x0];
	s2 =	stileid.u32  }
0x16d: {  	s1 =	rddreg [dreg:$0x1];
	p0 =	sne.s32 s2, $0x0  }
0x16e: {  	s3 =	rddreg [dreg:$0x2];
	[bflag:$0x3] =	sbarrier.arrive $0xFFFF;
	s2 =	simm.s32 @!p0 $0x1C05  }
0x16f: {  	[timem:s3], [sflag:s2] =	dma.local @!p0 [hbm:s0], s1  }
0x170: {  	s0 =	simm.s32 @!p0 $0x5  }
0x171: {  	_ =	swait.ge @!p0 [sflag:s0], s1  }
0x172: {  	s1 =	ssub.s32 @!p0 $0x0, s1;
	[sflag:s0] =	ssyncset.done @!p0 $0x0  }
0x173: {  	[sflag:s0] =	ssyncadd.s32 @!p0 s1  }
0x174: {  	[bflag:$0x3] =	sbarrier.arrive $0xFFFF  }
0x175: {  	_ =	shalt  }

</sc_bundles>
